<compile_context>
chip_gen: v7x
topology: tpu7x:2x2x1
jax: 0.10.2.dev20260603
libtpu: 0.0.44.dev20260713+nightly
codegen_flags: <defaults>
</compile_context>

<pallas_src>
import functools

import jax
import jax.numpy as jnp
from jax import lax
from jax.experimental import pallas as pl
from jax.experimental.pallas import tpu as pltpu
from jax.experimental.pallas import tpu_sc as plsc

_NUM_CLASSES = 1000000
_HIDDEN = 64
_BATCH = 16384

_INFO = plsc.get_sparse_core_info()
_NC = _INFO.num_cores
_NS = _INFO.num_subcores
_L = _INFO.num_lanes
_NW = _NC * _NS
_B_PER_W = _BATCH // _NW
_NBLK = (_NUM_CLASSES + 1 + 127) // 128

_mesh = plsc.VectorSubcoreMesh(core_axis_name="c", subcore_axis_name="s")


@functools.partial(
    pl.kernel,
    mesh=_mesh,
    out_type=jax.ShapeDtypeStruct((_BATCH, _HIDDEN), jnp.float32),
    scratch_types=[
        pltpu.SMEM((_B_PER_W,), jnp.int32),
        pltpu.SMEM((_B_PER_W,), jnp.int32),
        pltpu.VMEM_SHARED((_NW, _B_PER_W), jnp.int32),
        pltpu.VMEM_SHARED((_NW, _B_PER_W), jnp.int32),
        pltpu.VMEM((6, _HIDDEN, 128), jnp.float32),
        pltpu.VMEM((_B_PER_W, _HIDDEN), jnp.float32),
        pltpu.SemaphoreType.DMA,
        pltpu.SemaphoreType.DMA,
        pltpu.SemaphoreType.DMA,
        pltpu.SemaphoreType.DMA,
        pltpu.SemaphoreType.DMA,
        pltpu.SemaphoreType.DMA,
    ],
    compiler_params=pltpu.CompilerParams(needs_layout_passes=False),
)
def _embed(labels_hbm, drop_hbm, tab_t_hbm, tail_hbm, out_hbm,
           lbl_s, drop_s, lbl_sp, drop_sp, ring_v, out_v,
           sem0, sem1, sem2, sem3, sem4, sem5):
    wid = lax.axis_index("s") * _NC + lax.axis_index("c")
    base = wid * _B_PER_W
    iota = lax.iota(jnp.int32, _L)
    sems = (sem0, sem1, sem2, sem3, sem4, sem5)

    pltpu.sync_copy(labels_hbm.at[pl.ds(base, _B_PER_W)], lbl_sp.at[wid])
    pltpu.sync_copy(drop_hbm.at[pl.ds(base, _B_PER_W)], drop_sp.at[wid])
    pltpu.sync_copy(lbl_sp.at[wid], lbl_s)
    pltpu.sync_copy(drop_sp.at[wid], drop_s)

    def selected(i):
        return lax.select(drop_s[i] != 0, _NUM_CLASSES, lbl_s[i])

    def issue_fetch(i, par):
        r = selected(i)
        c = r >> 7
        slot = ring_v.at[par]

        @pl.when(c < _NBLK - 1)
        def _main():
            off = pl.multiple_of(c * 128, 128)
            pltpu.async_copy(tab_t_hbm.at[:, pl.ds(off, 128)], slot,
                             sems[par])

        @pl.when(c == _NBLK - 1)
        def _tail():
            pltpu.async_copy(tail_hbm, slot, sems[par])

    def wait_fetch(par):
        pltpu.make_async_copy(tail_hbm, ring_v.at[par], sems[par]).wait()

    def extract(i, par):
        r = selected(i)
        lane = jnp.full((_L,), r & 127, jnp.int32)
        slot = ring_v.at[par]
        orow = out_v.at[i]
        for q in range(_HIDDEN // _L):
            hv = iota + q * _L
            x = plsc.load_gather(slot, [hv, lane])
            orow[pl.ds(q * _L, _L)] = x

    for par in range(6):
        issue_fetch(par, par)

    def body(g, _):
        i = g * 6
        for par in range(6):
            wait_fetch(par)
            extract(i + par, par)

            @pl.when(i + par + 6 < _B_PER_W)
            def _next():
                issue_fetch(i + par + 6, par)

        return 0

    lax.fori_loop(0, _B_PER_W // 6, body, 0)
    for k in range(_B_PER_W - 6 * (_B_PER_W // 6)):
        i = 6 * (_B_PER_W // 6) + k
        par = i % 6
        wait_fetch(par)
        extract(i, par)
    pltpu.sync_copy(out_v, out_hbm.at[pl.ds(base, _B_PER_W)])


def kernel(labels, force_drop_ids, embedding_table):
    lbl = labels.astype(jnp.int32)
    drop = force_drop_ids.astype(jnp.int32)
    tab_t = embedding_table.T
    tail_start = (_NBLK - 1) * 128
    tail = jnp.pad(tab_t[:, tail_start:],
                   ((0, 0), (0, _NBLK * 128 - (_NUM_CLASSES + 1))))
    return _embed(lbl, drop, tab_t, tail)

# --- scband reference (transcript-rebuilt; emitter-appended) ---
"""Pipeline reference for scband-label-embedding-32435593020082 (READ-ONLY COPY).

The authoritative reference and input builder live on the scoring server;
editing this copy changes nothing except your own understanding.
"""

import jax, jax.numpy as jnp
import numpy as np

NUM_CLASSES = 1000000
HIDDEN_SIZE = 64
BATCH = 16384


def setup_inputs(seed: int = 0) -> dict:
    key = jax.random.key(seed)
    k_lbl, k_tab = jax.random.split(key)
    labels = jax.random.randint(k_lbl, (BATCH,), 0, NUM_CLASSES, dtype=jnp.int32).astype(jnp.int64)
    force_drop_ids = jnp.zeros((BATCH,), dtype=bool)
    # Embedding table has num_classes + 1 rows (extra row for the CFG null/drop class)
    embedding_table = jax.random.normal(k_tab, (NUM_CLASSES + 1, HIDDEN_SIZE), dtype=jnp.float32) * 0.02
    return {"labels": labels, "force_drop_ids": force_drop_ids, "embedding_table": embedding_table}


def reference(labels, force_drop_ids, embedding_table):
    # Classifier-free guidance dropout: force_drop_ids provided, so deterministic path.
    # drop_ids = force_drop_ids; labels replaced by null class index where dropped.
    lbl = jnp.where(force_drop_ids, NUM_CLASSES, labels)
    embeddings = jnp.take(embedding_table, lbl, axis=0)
    return embeddings

if __name__ == "__main__":
    import jax
    _d = setup_inputs()
    print(jax.jit(kernel)(*tuple(_d.values())))

</pallas_src>

<mosaic_0001>
#map = affine_map<(d0, d1) -> (0)>
#map1 = affine_map<(d0, d1) -> (0, 0)>
module attributes {stable_mosaic.version = 14 : i64} {
  func.func @_embed(%arg0: i32, %arg1: i32, %arg2: memref<16384xi32, #tpu.memory_space<hbm>>, %arg3: memref<16384xi32, #tpu.memory_space<hbm>>, %arg4: memref<64x1000001xf32, #tpu.memory_space<hbm>>, %arg5: memref<64x128xf32, #tpu.memory_space<hbm>>, %arg6: memref<16384x64xf32, #tpu.memory_space<hbm>>, %arg7: memref<512xi32, #tpu.memory_space<smem>>, %arg8: memref<512xi32, #tpu.memory_space<smem>>, %arg9: memref<32x512xi32, #tpu.memory_space<vmem_shared>>, %arg10: memref<32x512xi32, #tpu.memory_space<vmem_shared>>, %arg11: memref<6x64x128xf32, #tpu.memory_space<vmem>>, %arg12: memref<512x64xf32, #tpu.memory_space<vmem>>, %arg13: memref<!tpu.dma_semaphore, #tpu.memory_space<semaphore_mem>>, %arg14: memref<!tpu.dma_semaphore, #tpu.memory_space<semaphore_mem>>, %arg15: memref<!tpu.dma_semaphore, #tpu.memory_space<semaphore_mem>>, %arg16: memref<!tpu.dma_semaphore, #tpu.memory_space<semaphore_mem>>, %arg17: memref<!tpu.dma_semaphore, #tpu.memory_space<semaphore_mem>>, %arg18: memref<!tpu.dma_semaphore, #tpu.memory_space<semaphore_mem>>) attributes {dimension_semantics = [#tpu.dimension_semantics<core_parallel>, #tpu.dimension_semantics<subcore_parallel>], iteration_bounds = array<i64: 2, 16>, scalar_prefetch = 0 : i64, scratch_operands = 12 : i64, tpu.core_type = #tpu.core_type<sc_vector_subcore>, window_params = [{transform_indices = #map}, {transform_indices = #map}, {transform_indices = #map1}, {transform_indices = #map1}, {transform_indices = #map1}]} {
    %mul3A = arith.constant 2 : i32
    %mul3A_0 = arith.muli %arg1, %mul3A : i32
    %add3A = arith.addi %mul3A_0, %arg0 : i32
    %mul3A_1 = arith.constant 512 : i32
    %mul3A_2 = arith.muli %add3A, %mul3A_1 : i32
    %iota3A = tpu.iota {dimensions = array<i32: 0>} : vector<16xi32>
    "tpu.region"() ({
      %run_scoped3A = tpu.sem_alloc : memref<!tpu.dma_semaphore, #tpu.memory_space<semaphore_mem>>
      %dma_start3A = arith.constant 0 : i32
      %dma_start3A_304 = tpu.memref_slice %arg9[%add3A, %dma_start3A] : memref<32x512xi32, #tpu.memory_space<vmem_shared>> -> memref<1x512xi32, #tpu.memory_space<vmem_shared>>
      %dma_start3A_305 = tpu.memref_squeeze %dma_start3A_304 : memref<1x512xi32, #tpu.memory_space<vmem_shared>> -> memref<512xi32, #tpu.memory_space<vmem_shared>>
      %dma_start3A_306 = tpu.memref_slice %arg2[%mul3A_2] : memref<16384xi32, #tpu.memory_space<hbm>> -> memref<512xi32, #tpu.memory_space<hbm>>
      tpu.enqueue_dma source(%dma_start3A_306 : memref<512xi32, #tpu.memory_space<hbm>>) target(%dma_start3A_305 : memref<512xi32, #tpu.memory_space<vmem_shared>>) target_semaphore(%run_scoped3A : memref<!tpu.dma_semaphore, #tpu.memory_space<semaphore_mem>>)
      %dma_wait3A_307 = arith.constant 0 : i32
      %dma_wait3A_308 = tpu.memref_slice %arg9[%add3A, %dma_wait3A_307] : memref<32x512xi32, #tpu.memory_space<vmem_shared>> -> memref<1x512xi32, #tpu.memory_space<vmem_shared>>
      %dma_wait3A_309 = tpu.memref_squeeze %dma_wait3A_308 : memref<1x512xi32, #tpu.memory_space<vmem_shared>> -> memref<512xi32, #tpu.memory_space<vmem_shared>>
      %dma_wait3A_310 = tpu.memref_slice %arg2[%mul3A_2] : memref<16384xi32, #tpu.memory_space<hbm>> -> memref<512xi32, #tpu.memory_space<hbm>>
      tpu.wait_dma2 semaphore(%run_scoped3A : memref<!tpu.dma_semaphore, #tpu.memory_space<semaphore_mem>>) src(%dma_wait3A_310 : memref<512xi32, #tpu.memory_space<hbm>>) dst(%dma_wait3A_309 : memref<512xi32, #tpu.memory_space<vmem_shared>>)
      tpu.yield
    }) : () -> ()
    "tpu.region"() ({
      %run_scoped3A = tpu.sem_alloc : memref<!tpu.dma_semaphore, #tpu.memory_space<semaphore_mem>>
      %dma_start3A = arith.constant 0 : i32
      %dma_start3A_304 = tpu.memref_slice %arg10[%add3A, %dma_start3A] : memref<32x512xi32, #tpu.memory_space<vmem_shared>> -> memref<1x512xi32, #tpu.memory_space<vmem_shared>>
      %dma_start3A_305 = tpu.memref_squeeze %dma_start3A_304 : memref<1x512xi32, #tpu.memory_space<vmem_shared>> -> memref<512xi32, #tpu.memory_space<vmem_shared>>
      %dma_start3A_306 = tpu.memref_slice %arg3[%mul3A_2] : memref<16384xi32, #tpu.memory_space<hbm>> -> memref<512xi32, #tpu.memory_space<hbm>>
      tpu.enqueue_dma source(%dma_start3A_306 : memref<512xi32, #tpu.memory_space<hbm>>) target(%dma_start3A_305 : memref<512xi32, #tpu.memory_space<vmem_shared>>) target_semaphore(%run_scoped3A : memref<!tpu.dma_semaphore, #tpu.memory_space<semaphore_mem>>)
      %dma_wait3A_307 = arith.constant 0 : i32
      %dma_wait3A_308 = tpu.memref_slice %arg10[%add3A, %dma_wait3A_307] : memref<32x512xi32, #tpu.memory_space<vmem_shared>> -> memref<1x512xi32, #tpu.memory_space<vmem_shared>>
      %dma_wait3A_309 = tpu.memref_squeeze %dma_wait3A_308 : memref<1x512xi32, #tpu.memory_space<vmem_shared>> -> memref<512xi32, #tpu.memory_space<vmem_shared>>
      %dma_wait3A_310 = tpu.memref_slice %arg3[%mul3A_2] : memref<16384xi32, #tpu.memory_space<hbm>> -> memref<512xi32, #tpu.memory_space<hbm>>
      tpu.wait_dma2 semaphore(%run_scoped3A : memref<!tpu.dma_semaphore, #tpu.memory_space<semaphore_mem>>) src(%dma_wait3A_310 : memref<512xi32, #tpu.memory_space<hbm>>) dst(%dma_wait3A_309 : memref<512xi32, #tpu.memory_space<vmem_shared>>)
      tpu.yield
    }) : () -> ()
    "tpu.region"() ({
      %run_scoped3A = tpu.sem_alloc : memref<!tpu.dma_semaphore, #tpu.memory_space<semaphore_mem>>
      %dma_start3A = arith.constant 0 : i32
      %dma_start3A_304 = tpu.memref_slice %arg9[%add3A, %dma_start3A] : memref<32x512xi32, #tpu.memory_space<vmem_shared>> -> memref<1x512xi32, #tpu.memory_space<vmem_shared>>
      %dma_start3A_305 = tpu.memref_squeeze %dma_start3A_304 : memref<1x512xi32, #tpu.memory_space<vmem_shared>> -> memref<512xi32, #tpu.memory_space<vmem_shared>>
      tpu.enqueue_dma source(%dma_start3A_305 : memref<512xi32, #tpu.memory_space<vmem_shared>>) target(%arg7 : memref<512xi32, #tpu.memory_space<smem>>) target_semaphore(%run_scoped3A : memref<!tpu.dma_semaphore, #tpu.memory_space<semaphore_mem>>)
      %dma_wait3A_306 = arith.constant 0 : i32
      %dma_wait3A_307 = tpu.memref_slice %arg9[%add3A, %dma_wait3A_306] : memref<32x512xi32, #tpu.memory_space<vmem_shared>> -> memref<1x512xi32, #tpu.memory_space<vmem_shared>>
      %dma_wait3A_308 = tpu.memref_squeeze %dma_wait3A_307 : memref<1x512xi32, #tpu.memory_space<vmem_shared>> -> memref<512xi32, #tpu.memory_space<vmem_shared>>
      tpu.wait_dma2 semaphore(%run_scoped3A : memref<!tpu.dma_semaphore, #tpu.memory_space<semaphore_mem>>) src(%dma_wait3A_308 : memref<512xi32, #tpu.memory_space<vmem_shared>>) dst(%arg7 : memref<512xi32, #tpu.memory_space<smem>>)
      tpu.yield
    }) : () -> ()
    "tpu.region"() ({
      %run_scoped3A = tpu.sem_alloc : memref<!tpu.dma_semaphore, #tpu.memory_space<semaphore_mem>>
      %dma_start3A = arith.constant 0 : i32
      %dma_start3A_304 = tpu.memref_slice %arg10[%add3A, %dma_start3A] : memref<32x512xi32, #tpu.memory_space<vmem_shared>> -> memref<1x512xi32, #tpu.memory_space<vmem_shared>>
      %dma_start3A_305 = tpu.memref_squeeze %dma_start3A_304 : memref<1x512xi32, #tpu.memory_space<vmem_shared>> -> memref<512xi32, #tpu.memory_space<vmem_shared>>
      tpu.enqueue_dma source(%dma_start3A_305 : memref<512xi32, #tpu.memory_space<vmem_shared>>) target(%arg8 : memref<512xi32, #tpu.memory_space<smem>>) target_semaphore(%run_scoped3A : memref<!tpu.dma_semaphore, #tpu.memory_space<semaphore_mem>>)
      %dma_wait3A_306 = arith.constant 0 : i32
      %dma_wait3A_307 = tpu.memref_slice %arg10[%add3A, %dma_wait3A_306] : memref<32x512xi32, #tpu.memory_space<vmem_shared>> -> memref<1x512xi32, #tpu.memory_space<vmem_shared>>
      %dma_wait3A_308 = tpu.memref_squeeze %dma_wait3A_307 : memref<1x512xi32, #tpu.memory_space<vmem_shared>> -> memref<512xi32, #tpu.memory_space<vmem_shared>>
      tpu.wait_dma2 semaphore(%run_scoped3A : memref<!tpu.dma_semaphore, #tpu.memory_space<semaphore_mem>>) src(%dma_wait3A_308 : memref<512xi32, #tpu.memory_space<vmem_shared>>) dst(%arg8 : memref<512xi32, #tpu.memory_space<smem>>)
      tpu.yield
    }) : () -> ()
    %get3A = arith.constant 0 : i32
    %get3A_3 = arith.index_cast %get3A : i32 to index
    %get3A_4 = memref.load %arg8[%get3A_3] : memref<512xi32, #tpu.memory_space<smem>>
    %ne3A = arith.constant 0 : i32
    %ne3A_5 = arith.cmpi ne, %get3A_4, %ne3A : i32
    %get3A_6 = arith.constant 0 : i32
    %get3A_7 = arith.index_cast %get3A_6 : i32 to index
    %get3A_8 = memref.load %arg7[%get3A_7] : memref<512xi32, #tpu.memory_space<smem>>
    %select_n3A = arith.constant 1000000 : i32
    %select_n3A_9 = arith.select %ne3A_5, %select_n3A, %get3A_8 : i32
    %shift_right_arithmetic3A = arith.constant 7 : i32
    %shift_right_arithmetic3A_10 = arith.shrsi %select_n3A_9, %shift_right_arithmetic3A : i32
    %lt3A = arith.constant 7812 : i32
    %lt3A_11 = arith.cmpi slt, %shift_right_arithmetic3A_10, %lt3A : i32
    %convert_element_type3A = arith.extui %lt3A_11 : i1 to i32
    %cond3A = arith.constant 0 : i32
    %cond3A_12 = arith.constant 0 : i32
    %cond3A_13 = arith.cmpi ne, %convert_element_type3A, %cond3A_12 : i32
    scf.if %cond3A_13 {
      %mul3A_304 = arith.constant 128 : i32
      %mul3A_305 = arith.muli %shift_right_arithmetic3A_10, %mul3A_304 : i32
      %multiple_of3A = tpu.assume_multiple %mul3A_305, 128 : i32
      %dma_start3A = arith.constant 0 : i32
      %dma_start3A_306 = arith.constant 0 : i32
      %dma_start3A_307 = tpu.memref_slice %arg11[%cond3A, %dma_start3A, %dma_start3A_306] : memref<6x64x128xf32, #tpu.memory_space<vmem>> -> memref<1x64x128xf32, #tpu.memory_space<vmem>>
      %dma_start3A_308 = tpu.memref_squeeze %dma_start3A_307 : memref<1x64x128xf32, #tpu.memory_space<vmem>> -> memref<64x128xf32, #tpu.memory_space<vmem>>
      %dma_start3A_309 = arith.constant 0 : i32
      %dma_start3A_310 = tpu.memref_slice %arg4[%dma_start3A_309, %multiple_of3A] : memref<64x1000001xf32, #tpu.memory_space<hbm>> -> memref<64x128xf32, #tpu.memory_space<hbm>>
      %dma_start3A_311 = arith.constant 0 : i32
      %dma_start3A_312 = arith.constant 0 : i32
      %dma_start3A_313 = tpu.memref_slice %arg11[%cond3A, %dma_start3A_311, %dma_start3A_312] : memref<6x64x128xf32, #tpu.memory_space<vmem>> -> memref<1x64x128xf32, #tpu.memory_space<vmem>>
      %dma_start3A_314 = tpu.memref_squeeze %dma_start3A_313 : memref<1x64x128xf32, #tpu.memory_space<vmem>> -> memref<64x128xf32, #tpu.memory_space<vmem>>
      %dma_start3A_315 = arith.constant 0 : i32
      %dma_start3A_316 = tpu.memref_slice %arg4[%dma_start3A_315, %multiple_of3A] : memref<64x1000001xf32, #tpu.memory_space<hbm>> -> memref<64x128xf32, #tpu.memory_space<hbm>>
      tpu.enqueue_dma source(%dma_start3A_316 : memref<64x128xf32, #tpu.memory_space<hbm>>) target(%dma_start3A_314 : memref<64x128xf32, #tpu.memory_space<vmem>>) target_semaphore(%arg13 : memref<!tpu.dma_semaphore, #tpu.memory_space<semaphore_mem>>)
    } else {
    }
    %eq3A = arith.constant 7812 : i32
    %eq3A_14 = arith.cmpi eq, %shift_right_arithmetic3A_10, %eq3A : i32
    %convert_element_type3A_15 = arith.extui %eq3A_14 : i1 to i32
    %cond3A_16 = arith.constant 0 : i32
    %cond3A_17 = arith.constant 0 : i32
    %cond3A_18 = arith.cmpi ne, %convert_element_type3A_15, %cond3A_17 : i32
    scf.if %cond3A_18 {
      %dma_start3A = arith.constant 0 : i32
      %dma_start3A_304 = arith.constant 0 : i32
      %dma_start3A_305 = tpu.memref_slice %arg11[%cond3A_16, %dma_start3A, %dma_start3A_304] : memref<6x64x128xf32, #tpu.memory_space<vmem>> -> memref<1x64x128xf32, #tpu.memory_space<vmem>>
      %dma_start3A_306 = tpu.memref_squeeze %dma_start3A_305 : memref<1x64x128xf32, #tpu.memory_space<vmem>> -> memref<64x128xf32, #tpu.memory_space<vmem>>
      %dma_start3A_307 = arith.constant 0 : i32
      %dma_start3A_308 = arith.constant 0 : i32
      %dma_start3A_309 = tpu.memref_slice %arg11[%cond3A_16, %dma_start3A_307, %dma_start3A_308] : memref<6x64x128xf32, #tpu.memory_space<vmem>> -> memref<1x64x128xf32, #tpu.memory_space<vmem>>
      %dma_start3A_310 = tpu.memref_squeeze %dma_start3A_309 : memref<1x64x128xf32, #tpu.memory_space<vmem>> -> memref<64x128xf32, #tpu.memory_space<vmem>>
      tpu.enqueue_dma source(%arg5 : memref<64x128xf32, #tpu.memory_space<hbm>>) target(%dma_start3A_310 : memref<64x128xf32, #tpu.memory_space<vmem>>) target_semaphore(%arg13 : memref<!tpu.dma_semaphore, #tpu.memory_space<semaphore_mem>>)
    } else {
    }
    %get3A_19 = arith.constant 1 : i32
    %get3A_20 = arith.index_cast %get3A_19 : i32 to index
    %get3A_21 = memref.load %arg8[%get3A_20] : memref<512xi32, #tpu.memory_space<smem>>
    %ne3A_22 = arith.constant 0 : i32
    %ne3A_23 = arith.cmpi ne, %get3A_21, %ne3A_22 : i32
    %get3A_24 = arith.constant 1 : i32
    %get3A_25 = arith.index_cast %get3A_24 : i32 to index
    %get3A_26 = memref.load %arg7[%get3A_25] : memref<512xi32, #tpu.memory_space<smem>>
    %select_n3A_27 = arith.constant 1000000 : i32
    %select_n3A_28 = arith.select %ne3A_23, %select_n3A_27, %get3A_26 : i32
    %shift_right_arithmetic3A_29 = arith.constant 7 : i32
    %shift_right_arithmetic3A_30 = arith.shrsi %select_n3A_28, %shift_right_arithmetic3A_29 : i32
    %lt3A_31 = arith.constant 7812 : i32
    %lt3A_32 = arith.cmpi slt, %shift_right_arithmetic3A_30, %lt3A_31 : i32
    %convert_element_type3A_33 = arith.extui %lt3A_32 : i1 to i32
    %cond3A_34 = arith.constant 1 : i32
    %cond3A_35 = arith.constant 0 : i32
    %cond3A_36 = arith.cmpi ne, %convert_element_type3A_33, %cond3A_35 : i32
    scf.if %cond3A_36 {
      %mul3A_304 = arith.constant 128 : i32
      %mul3A_305 = arith.muli %shift_right_arithmetic3A_30, %mul3A_304 : i32
      %multiple_of3A = tpu.assume_multiple %mul3A_305, 128 : i32
      %dma_start3A = arith.constant 0 : i32
      %dma_start3A_306 = arith.constant 0 : i32
      %dma_start3A_307 = tpu.memref_slice %arg11[%cond3A_34, %dma_start3A, %dma_start3A_306] : memref<6x64x128xf32, #tpu.memory_space<vmem>> -> memref<1x64x128xf32, #tpu.memory_space<vmem>>
      %dma_start3A_308 = tpu.memref_squeeze %dma_start3A_307 : memref<1x64x128xf32, #tpu.memory_space<vmem>> -> memref<64x128xf32, #tpu.memory_space<vmem>>
      %dma_start3A_309 = arith.constant 0 : i32
      %dma_start3A_310 = tpu.memref_slice %arg4[%dma_start3A_309, %multiple_of3A] : memref<64x1000001xf32, #tpu.memory_space<hbm>> -> memref<64x128xf32, #tpu.memory_space<hbm>>
      %dma_start3A_311 = arith.constant 0 : i32
      %dma_start3A_312 = arith.constant 0 : i32
      %dma_start3A_313 = tpu.memref_slice %arg11[%cond3A_34, %dma_start3A_311, %dma_start3A_312] : memref<6x64x128xf32, #tpu.memory_space<vmem>> -> memref<1x64x128xf32, #tpu.memory_space<vmem>>
      %dma_start3A_314 = tpu.memref_squeeze %dma_start3A_313 : memref<1x64x128xf32, #tpu.memory_space<vmem>> -> memref<64x128xf32, #tpu.memory_space<vmem>>
      %dma_start3A_315 = arith.constant 0 : i32
      %dma_start3A_316 = tpu.memref_slice %arg4[%dma_start3A_315, %multiple_of3A] : memref<64x1000001xf32, #tpu.memory_space<hbm>> -> memref<64x128xf32, #tpu.memory_space<hbm>>
      tpu.enqueue_dma source(%dma_start3A_316 : memref<64x128xf32, #tpu.memory_space<hbm>>) target(%dma_start3A_314 : memref<64x128xf32, #tpu.memory_space<vmem>>) target_semaphore(%arg14 : memref<!tpu.dma_semaphore, #tpu.memory_space<semaphore_mem>>)
    } else {
    }
    %eq3A_37 = arith.constant 7812 : i32
    %eq3A_38 = arith.cmpi eq, %shift_right_arithmetic3A_30, %eq3A_37 : i32
    %convert_element_type3A_39 = arith.extui %eq3A_38 : i1 to i32
    %cond3A_40 = arith.constant 1 : i32
    %cond3A_41 = arith.constant 0 : i32
    %cond3A_42 = arith.cmpi ne, %convert_element_type3A_39, %cond3A_41 : i32
    scf.if %cond3A_42 {
      %dma_start3A = arith.constant 0 : i32
      %dma_start3A_304 = arith.constant 0 : i32
      %dma_start3A_305 = tpu.memref_slice %arg11[%cond3A_40, %dma_start3A, %dma_start3A_304] : memref<6x64x128xf32, #tpu.memory_space<vmem>> -> memref<1x64x128xf32, #tpu.memory_space<vmem>>
      %dma_start3A_306 = tpu.memref_squeeze %dma_start3A_305 : memref<1x64x128xf32, #tpu.memory_space<vmem>> -> memref<64x128xf32, #tpu.memory_space<vmem>>
      %dma_start3A_307 = arith.constant 0 : i32
      %dma_start3A_308 = arith.constant 0 : i32
      %dma_start3A_309 = tpu.memref_slice %arg11[%cond3A_40, %dma_start3A_307, %dma_start3A_308] : memref<6x64x128xf32, #tpu.memory_space<vmem>> -> memref<1x64x128xf32, #tpu.memory_space<vmem>>
      %dma_start3A_310 = tpu.memref_squeeze %dma_start3A_309 : memref<1x64x128xf32, #tpu.memory_space<vmem>> -> memref<64x128xf32, #tpu.memory_space<vmem>>
      tpu.enqueue_dma source(%arg5 : memref<64x128xf32, #tpu.memory_space<hbm>>) target(%dma_start3A_310 : memref<64x128xf32, #tpu.memory_space<vmem>>) target_semaphore(%arg14 : memref<!tpu.dma_semaphore, #tpu.memory_space<semaphore_mem>>)
    } else {
    }
    %get3A_43 = arith.constant 2 : i32
    %get3A_44 = arith.index_cast %get3A_43 : i32 to index
    %get3A_45 = memref.load %arg8[%get3A_44] : memref<512xi32, #tpu.memory_space<smem>>
    %ne3A_46 = arith.constant 0 : i32
    %ne3A_47 = arith.cmpi ne, %get3A_45, %ne3A_46 : i32
    %get3A_48 = arith.constant 2 : i32
    %get3A_49 = arith.index_cast %get3A_48 : i32 to index
    %get3A_50 = memref.load %arg7[%get3A_49] : memref<512xi32, #tpu.memory_space<smem>>
    %select_n3A_51 = arith.constant 1000000 : i32
    %select_n3A_52 = arith.select %ne3A_47, %select_n3A_51, %get3A_50 : i32
    %shift_right_arithmetic3A_53 = arith.constant 7 : i32
    %shift_right_arithmetic3A_54 = arith.shrsi %select_n3A_52, %shift_right_arithmetic3A_53 : i32
    %lt3A_55 = arith.constant 7812 : i32
    %lt3A_56 = arith.cmpi slt, %shift_right_arithmetic3A_54, %lt3A_55 : i32
    %convert_element_type3A_57 = arith.extui %lt3A_56 : i1 to i32
    %cond3A_58 = arith.constant 2 : i32
    %cond3A_59 = arith.constant 0 : i32
    %cond3A_60 = arith.cmpi ne, %convert_element_type3A_57, %cond3A_59 : i32
    scf.if %cond3A_60 {
      %mul3A_304 = arith.constant 128 : i32
      %mul3A_305 = arith.muli %shift_right_arithmetic3A_54, %mul3A_304 : i32
      %multiple_of3A = tpu.assume_multiple %mul3A_305, 128 : i32
      %dma_start3A = arith.constant 0 : i32
      %dma_start3A_306 = arith.constant 0 : i32
      %dma_start3A_307 = tpu.memref_slice %arg11[%cond3A_58, %dma_start3A, %dma_start3A_306] : memref<6x64x128xf32, #tpu.memory_space<vmem>> -> memref<1x64x128xf32, #tpu.memory_space<vmem>>
      %dma_start3A_308 = tpu.memref_squeeze %dma_start3A_307 : memref<1x64x128xf32, #tpu.memory_space<vmem>> -> memref<64x128xf32, #tpu.memory_space<vmem>>
      %dma_start3A_309 = arith.constant 0 : i32
      %dma_start3A_310 = tpu.memref_slice %arg4[%dma_start3A_309, %multiple_of3A] : memref<64x1000001xf32, #tpu.memory_space<hbm>> -> memref<64x128xf32, #tpu.memory_space<hbm>>
      %dma_start3A_311 = arith.constant 0 : i32
      %dma_start3A_312 = arith.constant 0 : i32
      %dma_start3A_313 = tpu.memref_slice %arg11[%cond3A_58, %dma_start3A_311, %dma_start3A_312] : memref<6x64x128xf32, #tpu.memory_space<vmem>> -> memref<1x64x128xf32, #tpu.memory_space<vmem>>
      %dma_start3A_314 = tpu.memref_squeeze %dma_start3A_313 : memref<1x64x128xf32, #tpu.memory_space<vmem>> -> memref<64x128xf32, #tpu.memory_space<vmem>>
      %dma_start3A_315 = arith.constant 0 : i32
      %dma_start3A_316 = tpu.memref_slice %arg4[%dma_start3A_315, %multiple_of3A] : memref<64x1000001xf32, #tpu.memory_space<hbm>> -> memref<64x128xf32, #tpu.memory_space<hbm>>
      tpu.enqueue_dma source(%dma_start3A_316 : memref<64x128xf32, #tpu.memory_space<hbm>>) target(%dma_start3A_314 : memref<64x128xf32, #tpu.memory_space<vmem>>) target_semaphore(%arg15 : memref<!tpu.dma_semaphore, #tpu.memory_space<semaphore_mem>>)
    } else {
    }
    %eq3A_61 = arith.constant 7812 : i32
    %eq3A_62 = arith.cmpi eq, %shift_right_arithmetic3A_54, %eq3A_61 : i32
    %convert_element_type3A_63 = arith.extui %eq3A_62 : i1 to i32
    %cond3A_64 = arith.constant 2 : i32
    %cond3A_65 = arith.constant 0 : i32
    %cond3A_66 = arith.cmpi ne, %convert_element_type3A_63, %cond3A_65 : i32
    scf.if %cond3A_66 {
      %dma_start3A = arith.constant 0 : i32
      %dma_start3A_304 = arith.constant 0 : i32
      %dma_start3A_305 = tpu.memref_slice %arg11[%cond3A_64, %dma_start3A, %dma_start3A_304] : memref<6x64x128xf32, #tpu.memory_space<vmem>> -> memref<1x64x128xf32, #tpu.memory_space<vmem>>
      %dma_start3A_306 = tpu.memref_squeeze %dma_start3A_305 : memref<1x64x128xf32, #tpu.memory_space<vmem>> -> memref<64x128xf32, #tpu.memory_space<vmem>>
      %dma_start3A_307 = arith.constant 0 : i32
      %dma_start3A_308 = arith.constant 0 : i32
      %dma_start3A_309 = tpu.memref_slice %arg11[%cond3A_64, %dma_start3A_307, %dma_start3A_308] : memref<6x64x128xf32, #tpu.memory_space<vmem>> -> memref<1x64x128xf32, #tpu.memory_space<vmem>>
      %dma_start3A_310 = tpu.memref_squeeze %dma_start3A_309 : memref<1x64x128xf32, #tpu.memory_space<vmem>> -> memref<64x128xf32, #tpu.memory_space<vmem>>
      tpu.enqueue_dma source(%arg5 : memref<64x128xf32, #tpu.memory_space<hbm>>) target(%dma_start3A_310 : memref<64x128xf32, #tpu.memory_space<vmem>>) target_semaphore(%arg15 : memref<!tpu.dma_semaphore, #tpu.memory_space<semaphore_mem>>)
    } else {
    }
    %get3A_67 = arith.constant 3 : i32
    %get3A_68 = arith.index_cast %get3A_67 : i32 to index
    %get3A_69 = memref.load %arg8[%get3A_68] : memref<512xi32, #tpu.memory_space<smem>>
    %ne3A_70 = arith.constant 0 : i32
    %ne3A_71 = arith.cmpi ne, %get3A_69, %ne3A_70 : i32
    %get3A_72 = arith.constant 3 : i32
    %get3A_73 = arith.index_cast %get3A_72 : i32 to index
    %get3A_74 = memref.load %arg7[%get3A_73] : memref<512xi32, #tpu.memory_space<smem>>
    %select_n3A_75 = arith.constant 1000000 : i32
    %select_n3A_76 = arith.select %ne3A_71, %select_n3A_75, %get3A_74 : i32
    %shift_right_arithmetic3A_77 = arith.constant 7 : i32
    %shift_right_arithmetic3A_78 = arith.shrsi %select_n3A_76, %shift_right_arithmetic3A_77 : i32
    %lt3A_79 = arith.constant 7812 : i32
    %lt3A_80 = arith.cmpi slt, %shift_right_arithmetic3A_78, %lt3A_79 : i32
    %convert_element_type3A_81 = arith.extui %lt3A_80 : i1 to i32
    %cond3A_82 = arith.constant 3 : i32
    %cond3A_83 = arith.constant 0 : i32
    %cond3A_84 = arith.cmpi ne, %convert_element_type3A_81, %cond3A_83 : i32
    scf.if %cond3A_84 {
      %mul3A_304 = arith.constant 128 : i32
      %mul3A_305 = arith.muli %shift_right_arithmetic3A_78, %mul3A_304 : i32
      %multiple_of3A = tpu.assume_multiple %mul3A_305, 128 : i32
      %dma_start3A = arith.constant 0 : i32
      %dma_start3A_306 = arith.constant 0 : i32
      %dma_start3A_307 = tpu.memref_slice %arg11[%cond3A_82, %dma_start3A, %dma_start3A_306] : memref<6x64x128xf32, #tpu.memory_space<vmem>> -> memref<1x64x128xf32, #tpu.memory_space<vmem>>
      %dma_start3A_308 = tpu.memref_squeeze %dma_start3A_307 : memref<1x64x128xf32, #tpu.memory_space<vmem>> -> memref<64x128xf32, #tpu.memory_space<vmem>>
      %dma_start3A_309 = arith.constant 0 : i32
      %dma_start3A_310 = tpu.memref_slice %arg4[%dma_start3A_309, %multiple_of3A] : memref<64x1000001xf32, #tpu.memory_space<hbm>> -> memref<64x128xf32, #tpu.memory_space<hbm>>
      %dma_start3A_311 = arith.constant 0 : i32
      %dma_start3A_312 = arith.constant 0 : i32
      %dma_start3A_313 = tpu.memref_slice %arg11[%cond3A_82, %dma_start3A_311, %dma_start3A_312] : memref<6x64x128xf32, #tpu.memory_space<vmem>> -> memref<1x64x128xf32, #tpu.memory_space<vmem>>
      %dma_start3A_314 = tpu.memref_squeeze %dma_start3A_313 : memref<1x64x128xf32, #tpu.memory_space<vmem>> -> memref<64x128xf32, #tpu.memory_space<vmem>>
      %dma_start3A_315 = arith.constant 0 : i32
      %dma_start3A_316 = tpu.memref_slice %arg4[%dma_start3A_315, %multiple_of3A] : memref<64x1000001xf32, #tpu.memory_space<hbm>> -> memref<64x128xf32, #tpu.memory_space<hbm>>
      tpu.enqueue_dma source(%dma_start3A_316 : memref<64x128xf32, #tpu.memory_space<hbm>>) target(%dma_start3A_314 : memref<64x128xf32, #tpu.memory_space<vmem>>) target_semaphore(%arg16 : memref<!tpu.dma_semaphore, #tpu.memory_space<semaphore_mem>>)
    } else {
    }
    %eq3A_85 = arith.constant 7812 : i32
    %eq3A_86 = arith.cmpi eq, %shift_right_arithmetic3A_78, %eq3A_85 : i32
    %convert_element_type3A_87 = arith.extui %eq3A_86 : i1 to i32
    %cond3A_88 = arith.constant 3 : i32
    %cond3A_89 = arith.constant 0 : i32
    %cond3A_90 = arith.cmpi ne, %convert_element_type3A_87, %cond3A_89 : i32
    scf.if %cond3A_90 {
      %dma_start3A = arith.constant 0 : i32
      %dma_start3A_304 = arith.constant 0 : i32
      %dma_start3A_305 = tpu.memref_slice %arg11[%cond3A_88, %dma_start3A, %dma_start3A_304] : memref<6x64x128xf32, #tpu.memory_space<vmem>> -> memref<1x64x128xf32, #tpu.memory_space<vmem>>
      %dma_start3A_306 = tpu.memref_squeeze %dma_start3A_305 : memref<1x64x128xf32, #tpu.memory_space<vmem>> -> memref<64x128xf32, #tpu.memory_space<vmem>>
      %dma_start3A_307 = arith.constant 0 : i32
      %dma_start3A_308 = arith.constant 0 : i32
      %dma_start3A_309 = tpu.memref_slice %arg11[%cond3A_88, %dma_start3A_307, %dma_start3A_308] : memref<6x64x128xf32, #tpu.memory_space<vmem>> -> memref<1x64x128xf32, #tpu.memory_space<vmem>>
      %dma_start3A_310 = tpu.memref_squeeze %dma_start3A_309 : memref<1x64x128xf32, #tpu.memory_space<vmem>> -> memref<64x128xf32, #tpu.memory_space<vmem>>
      tpu.enqueue_dma source(%arg5 : memref<64x128xf32, #tpu.memory_space<hbm>>) target(%dma_start3A_310 : memref<64x128xf32, #tpu.memory_space<vmem>>) target_semaphore(%arg16 : memref<!tpu.dma_semaphore, #tpu.memory_space<semaphore_mem>>)
    } else {
    }
    %get3A_91 = arith.constant 4 : i32
    %get3A_92 = arith.index_cast %get3A_91 : i32 to index
    %get3A_93 = memref.load %arg8[%get3A_92] : memref<512xi32, #tpu.memory_space<smem>>
    %ne3A_94 = arith.constant 0 : i32
    %ne3A_95 = arith.cmpi ne, %get3A_93, %ne3A_94 : i32
    %get3A_96 = arith.constant 4 : i32
    %get3A_97 = arith.index_cast %get3A_96 : i32 to index
    %get3A_98 = memref.load %arg7[%get3A_97] : memref<512xi32, #tpu.memory_space<smem>>
    %select_n3A_99 = arith.constant 1000000 : i32
    %select_n3A_100 = arith.select %ne3A_95, %select_n3A_99, %get3A_98 : i32
    %shift_right_arithmetic3A_101 = arith.constant 7 : i32
    %shift_right_arithmetic3A_102 = arith.shrsi %select_n3A_100, %shift_right_arithmetic3A_101 : i32
    %lt3A_103 = arith.constant 7812 : i32
    %lt3A_104 = arith.cmpi slt, %shift_right_arithmetic3A_102, %lt3A_103 : i32
    %convert_element_type3A_105 = arith.extui %lt3A_104 : i1 to i32
    %cond3A_106 = arith.constant 4 : i32
    %cond3A_107 = arith.constant 0 : i32
    %cond3A_108 = arith.cmpi ne, %convert_element_type3A_105, %cond3A_107 : i32
    scf.if %cond3A_108 {
      %mul3A_304 = arith.constant 128 : i32
      %mul3A_305 = arith.muli %shift_right_arithmetic3A_102, %mul3A_304 : i32
      %multiple_of3A = tpu.assume_multiple %mul3A_305, 128 : i32
      %dma_start3A = arith.constant 0 : i32
      %dma_start3A_306 = arith.constant 0 : i32
      %dma_start3A_307 = tpu.memref_slice %arg11[%cond3A_106, %dma_start3A, %dma_start3A_306] : memref<6x64x128xf32, #tpu.memory_space<vmem>> -> memref<1x64x128xf32, #tpu.memory_space<vmem>>
      %dma_start3A_308 = tpu.memref_squeeze %dma_start3A_307 : memref<1x64x128xf32, #tpu.memory_space<vmem>> -> memref<64x128xf32, #tpu.memory_space<vmem>>
      %dma_start3A_309 = arith.constant 0 : i32
      %dma_start3A_310 = tpu.memref_slice %arg4[%dma_start3A_309, %multiple_of3A] : memref<64x1000001xf32, #tpu.memory_space<hbm>> -> memref<64x128xf32, #tpu.memory_space<hbm>>
      %dma_start3A_311 = arith.constant 0 : i32
      %dma_start3A_312 = arith.constant 0 : i32
      %dma_start3A_313 = tpu.memref_slice %arg11[%cond3A_106, %dma_start3A_311, %dma_start3A_312] : memref<6x64x128xf32, #tpu.memory_space<vmem>> -> memref<1x64x128xf32, #tpu.memory_space<vmem>>
      %dma_start3A_314 = tpu.memref_squeeze %dma_start3A_313 : memref<1x64x128xf32, #tpu.memory_space<vmem>> -> memref<64x128xf32, #tpu.memory_space<vmem>>
      %dma_start3A_315 = arith.constant 0 : i32
      %dma_start3A_316 = tpu.memref_slice %arg4[%dma_start3A_315, %multiple_of3A] : memref<64x1000001xf32, #tpu.memory_space<hbm>> -> memref<64x128xf32, #tpu.memory_space<hbm>>
      tpu.enqueue_dma source(%dma_start3A_316 : memref<64x128xf32, #tpu.memory_space<hbm>>) target(%dma_start3A_314 : memref<64x128xf32, #tpu.memory_space<vmem>>) target_semaphore(%arg17 : memref<!tpu.dma_semaphore, #tpu.memory_space<semaphore_mem>>)
    } else {
    }
    %eq3A_109 = arith.constant 7812 : i32
    %eq3A_110 = arith.cmpi eq, %shift_right_arithmetic3A_102, %eq3A_109 : i32
    %convert_element_type3A_111 = arith.extui %eq3A_110 : i1 to i32
    %cond3A_112 = arith.constant 4 : i32
    %cond3A_113 = arith.constant 0 : i32
    %cond3A_114 = arith.cmpi ne, %convert_element_type3A_111, %cond3A_113 : i32
    scf.if %cond3A_114 {
      %dma_start3A = arith.constant 0 : i32
      %dma_start3A_304 = arith.constant 0 : i32
      %dma_start3A_305 = tpu.memref_slice %arg11[%cond3A_112, %dma_start3A, %dma_start3A_304] : memref<6x64x128xf32, #tpu.memory_space<vmem>> -> memref<1x64x128xf32, #tpu.memory_space<vmem>>
      %dma_start3A_306 = tpu.memref_squeeze %dma_start3A_305 : memref<1x64x128xf32, #tpu.memory_space<vmem>> -> memref<64x128xf32, #tpu.memory_space<vmem>>
      %dma_start3A_307 = arith.constant 0 : i32
      %dma_start3A_308 = arith.constant 0 : i32
      %dma_start3A_309 = tpu.memref_slice %arg11[%cond3A_112, %dma_start3A_307, %dma_start3A_308] : memref<6x64x128xf32, #tpu.memory_space<vmem>> -> memref<1x64x128xf32, #tpu.memory_space<vmem>>
      %dma_start3A_310 = tpu.memref_squeeze %dma_start3A_309 : memref<1x64x128xf32, #tpu.memory_space<vmem>> -> memref<64x128xf32, #tpu.memory_space<vmem>>
      tpu.enqueue_dma source(%arg5 : memref<64x128xf32, #tpu.memory_space<hbm>>) target(%dma_start3A_310 : memref<64x128xf32, #tpu.memory_space<vmem>>) target_semaphore(%arg17 : memref<!tpu.dma_semaphore, #tpu.memory_space<semaphore_mem>>)
    } else {
    }
    %get3A_115 = arith.constant 5 : i32
    %get3A_116 = arith.index_cast %get3A_115 : i32 to index
    %get3A_117 = memref.load %arg8[%get3A_116] : memref<512xi32, #tpu.memory_space<smem>>
    %ne3A_118 = arith.constant 0 : i32
    %ne3A_119 = arith.cmpi ne, %get3A_117, %ne3A_118 : i32
    %get3A_120 = arith.constant 5 : i32
    %get3A_121 = arith.index_cast %get3A_120 : i32 to index
    %get3A_122 = memref.load %arg7[%get3A_121] : memref<512xi32, #tpu.memory_space<smem>>
    %select_n3A_123 = arith.constant 1000000 : i32
    %select_n3A_124 = arith.select %ne3A_119, %select_n3A_123, %get3A_122 : i32
    %shift_right_arithmetic3A_125 = arith.constant 7 : i32
    %shift_right_arithmetic3A_126 = arith.shrsi %select_n3A_124, %shift_right_arithmetic3A_125 : i32
    %lt3A_127 = arith.constant 7812 : i32
    %lt3A_128 = arith.cmpi slt, %shift_right_arithmetic3A_126, %lt3A_127 : i32
    %convert_element_type3A_129 = arith.extui %lt3A_128 : i1 to i32
    %cond3A_130 = arith.constant 5 : i32
    %cond3A_131 = arith.constant 0 : i32
    %cond3A_132 = arith.cmpi ne, %convert_element_type3A_129, %cond3A_131 : i32
    scf.if %cond3A_132 {
      %mul3A_304 = arith.constant 128 : i32
      %mul3A_305 = arith.muli %shift_right_arithmetic3A_126, %mul3A_304 : i32
      %multiple_of3A = tpu.assume_multiple %mul3A_305, 128 : i32
      %dma_start3A = arith.constant 0 : i32
      %dma_start3A_306 = arith.constant 0 : i32
      %dma_start3A_307 = tpu.memref_slice %arg11[%cond3A_130, %dma_start3A, %dma_start3A_306] : memref<6x64x128xf32, #tpu.memory_space<vmem>> -> memref<1x64x128xf32, #tpu.memory_space<vmem>>
      %dma_start3A_308 = tpu.memref_squeeze %dma_start3A_307 : memref<1x64x128xf32, #tpu.memory_space<vmem>> -> memref<64x128xf32, #tpu.memory_space<vmem>>
      %dma_start3A_309 = arith.constant 0 : i32
      %dma_start3A_310 = tpu.memref_slice %arg4[%dma_start3A_309, %multiple_of3A] : memref<64x1000001xf32, #tpu.memory_space<hbm>> -> memref<64x128xf32, #tpu.memory_space<hbm>>
      %dma_start3A_311 = arith.constant 0 : i32
      %dma_start3A_312 = arith.constant 0 : i32
      %dma_start3A_313 = tpu.memref_slice %arg11[%cond3A_130, %dma_start3A_311, %dma_start3A_312] : memref<6x64x128xf32, #tpu.memory_space<vmem>> -> memref<1x64x128xf32, #tpu.memory_space<vmem>>
      %dma_start3A_314 = tpu.memref_squeeze %dma_start3A_313 : memref<1x64x128xf32, #tpu.memory_space<vmem>> -> memref<64x128xf32, #tpu.memory_space<vmem>>
      %dma_start3A_315 = arith.constant 0 : i32
      %dma_start3A_316 = tpu.memref_slice %arg4[%dma_start3A_315, %multiple_of3A] : memref<64x1000001xf32, #tpu.memory_space<hbm>> -> memref<64x128xf32, #tpu.memory_space<hbm>>
      tpu.enqueue_dma source(%dma_start3A_316 : memref<64x128xf32, #tpu.memory_space<hbm>>) target(%dma_start3A_314 : memref<64x128xf32, #tpu.memory_space<vmem>>) target_semaphore(%arg18 : memref<!tpu.dma_semaphore, #tpu.memory_space<semaphore_mem>>)
    } else {
    }
    %eq3A_133 = arith.constant 7812 : i32
    %eq3A_134 = arith.cmpi eq, %shift_right_arithmetic3A_126, %eq3A_133 : i32
    %convert_element_type3A_135 = arith.extui %eq3A_134 : i1 to i32
    %cond3A_136 = arith.constant 5 : i32
    %cond3A_137 = arith.constant 0 : i32
    %cond3A_138 = arith.cmpi ne, %convert_element_type3A_135, %cond3A_137 : i32
    scf.if %cond3A_138 {
      %dma_start3A = arith.constant 0 : i32
      %dma_start3A_304 = arith.constant 0 : i32
      %dma_start3A_305 = tpu.memref_slice %arg11[%cond3A_136, %dma_start3A, %dma_start3A_304] : memref<6x64x128xf32, #tpu.memory_space<vmem>> -> memref<1x64x128xf32, #tpu.memory_space<vmem>>
      %dma_start3A_306 = tpu.memref_squeeze %dma_start3A_305 : memref<1x64x128xf32, #tpu.memory_space<vmem>> -> memref<64x128xf32, #tpu.memory_space<vmem>>
      %dma_start3A_307 = arith.constant 0 : i32
      %dma_start3A_308 = arith.constant 0 : i32
      %dma_start3A_309 = tpu.memref_slice %arg11[%cond3A_136, %dma_start3A_307, %dma_start3A_308] : memref<6x64x128xf32, #tpu.memory_space<vmem>> -> memref<1x64x128xf32, #tpu.memory_space<vmem>>
      %dma_start3A_310 = tpu.memref_squeeze %dma_start3A_309 : memref<1x64x128xf32, #tpu.memory_space<vmem>> -> memref<64x128xf32, #tpu.memory_space<vmem>>
      tpu.enqueue_dma source(%arg5 : memref<64x128xf32, #tpu.memory_space<hbm>>) target(%dma_start3A_310 : memref<64x128xf32, #tpu.memory_space<vmem>>) target_semaphore(%arg18 : memref<!tpu.dma_semaphore, #tpu.memory_space<semaphore_mem>>)
    } else {
    }
    %scan3A = arith.constant 0 : i32
    %scan3A_139 = arith.constant 0 : i32
    %scan3A_140 = arith.constant 85 : i32
    %scan3A_141 = arith.addi %scan3A_139, %scan3A_140 : i32
    %scan3A_142 = arith.constant 1 : i32
    %scan3A_143 = scf.for %scan3A_304 = %scan3A_139 to %scan3A_141 step %scan3A_142 iter_args(%scan3A_305 = %scan3A) -> (i32)  : i32 {
      %mul3A_306 = arith.constant 6 : i32
      %mul3A_307 = arith.muli %scan3A_304, %mul3A_306 : i32
      %dma_wait3A_308 = arith.constant 0 : i32
      %dma_wait3A_309 = arith.constant 0 : i32
      %dma_wait3A_310 = arith.constant 0 : i32
      %dma_wait3A_311 = tpu.memref_slice %arg11[%dma_wait3A_308, %dma_wait3A_309, %dma_wait3A_310] : memref<6x64x128xf32, #tpu.memory_space<vmem>> -> memref<1x64x128xf32, #tpu.memory_space<vmem>>
      %dma_wait3A_312 = tpu.memref_squeeze %dma_wait3A_311 : memref<1x64x128xf32, #tpu.memory_space<vmem>> -> memref<64x128xf32, #tpu.memory_space<vmem>>
      %dma_wait3A_313 = arith.constant 0 : i32
      %dma_wait3A_314 = arith.constant 0 : i32
      %dma_wait3A_315 = tpu.memref_slice %arg11[%dma_wait3A_308, %dma_wait3A_313, %dma_wait3A_314] : memref<6x64x128xf32, #tpu.memory_space<vmem>> -> memref<1x64x128xf32, #tpu.memory_space<vmem>>
      %dma_wait3A_316 = tpu.memref_squeeze %dma_wait3A_315 : memref<1x64x128xf32, #tpu.memory_space<vmem>> -> memref<64x128xf32, #tpu.memory_space<vmem>>
      tpu.wait_dma2 semaphore(%arg13 : memref<!tpu.dma_semaphore, #tpu.memory_space<semaphore_mem>>) src(%arg5 : memref<64x128xf32, #tpu.memory_space<hbm>>) dst(%dma_wait3A_316 : memref<64x128xf32, #tpu.memory_space<vmem>>)
      %add3A_317 = arith.constant 0 : i32
      %add3A_318 = arith.addi %mul3A_307, %add3A_317 : i32
      %get3A_319 = arith.index_cast %add3A_318 : i32 to index
      %get3A_320 = memref.load %arg8[%get3A_319] : memref<512xi32, #tpu.memory_space<smem>>
      %ne3A_321 = arith.constant 0 : i32
      %ne3A_322 = arith.cmpi ne, %get3A_320, %ne3A_321 : i32
      %get3A_323 = arith.index_cast %add3A_318 : i32 to index
      %get3A_324 = memref.load %arg7[%get3A_323] : memref<512xi32, #tpu.memory_space<smem>>
      %select_n3A_325 = arith.constant 1000000 : i32
      %select_n3A_326 = arith.select %ne3A_322, %select_n3A_325, %get3A_324 : i32
      %and3A_327 = arith.constant 127 : i32
      %and3A_328 = arith.andi %select_n3A_326, %and3A_327 : i32
      %broadcast_in_dim3A_329 = vector.broadcast %and3A_328 : i32 to vector<16xi32>
      %add3A_330 = arith.constant 0 : i32
      %add3A_331 = vector.broadcast %add3A_330 : i32 to vector<16xi32>
      %add3A_332 = arith.addi %iota3A, %add3A_331 : vector<16xi32>
      %gather3A_333 = arith.constant 0 : i32
      %gather3A_334 = arith.constant 0 : i32
      %gather3A_335 = arith.constant 0 : i32
      %gather3A_336 = tpu.memref_slice %arg11[%gather3A_333, %gather3A_334, %gather3A_335] : memref<6x64x128xf32, #tpu.memory_space<vmem>> -> memref<1x64x128xf32, #tpu.memory_space<vmem>>
      %gather3A_337 = tpu.memref_squeeze %gather3A_336 : memref<1x64x128xf32, #tpu.memory_space<vmem>> -> memref<64x128xf32, #tpu.memory_space<vmem>>
      %gather3A_338 = tpu.vector_load_idx %gather3A_337[%add3A_332, %broadcast_in_dim3A_329] : memref<64x128xf32, #tpu.memory_space<vmem>>[vector<16xi32>, vector<16xi32>], vector<16xf32>,
      %swap3A_339 = arith.constant 0 : i32
      %swap3A_340 = tpu.memref_slice %arg12[%add3A_318, %swap3A_339] : memref<512x64xf32, #tpu.memory_space<vmem>> -> memref<1x64xf32, #tpu.memory_space<vmem>>
      %swap3A_341 = tpu.memref_squeeze %swap3A_340 : memref<1x64xf32, #tpu.memory_space<vmem>> -> memref<64xf32, #tpu.memory_space<vmem>>
      %swap3A_342 = arith.constant 0 : index
      %swap3A_343 = tpu.vector_load %swap3A_341[%swap3A_342] {strides = array<i32>} : memref<64xf32, #tpu.memory_space<vmem>>, vector<16xf32>,
      tpu.vector_store %swap3A_341[%swap3A_342], %gather3A_338 {strides = array<i32>} : memref<64xf32, #tpu.memory_space<vmem>>, vector<16xf32>,
      %add3A_344 = arith.constant 16 : i32
      %add3A_345 = vector.broadcast %add3A_344 : i32 to vector<16xi32>
      %add3A_346 = arith.addi %iota3A, %add3A_345 : vector<16xi32>
      %gather3A_347 = arith.constant 0 : i32
      %gather3A_348 = arith.constant 0 : i32
      %gather3A_349 = arith.constant 0 : i32
      %gather3A_350 = tpu.memref_slice %arg11[%gather3A_347, %gather3A_348, %gather3A_349] : memref<6x64x128xf32, #tpu.memory_space<vmem>> -> memref<1x64x128xf32, #tpu.memory_space<vmem>>
      %gather3A_351 = tpu.memref_squeeze %gather3A_350 : memref<1x64x128xf32, #tpu.memory_space<vmem>> -> memref<64x128xf32, #tpu.memory_space<vmem>>
      %gather3A_352 = tpu.vector_load_idx %gather3A_351[%add3A_346, %broadcast_in_dim3A_329] : memref<64x128xf32, #tpu.memory_space<vmem>>[vector<16xi32>, vector<16xi32>], vector<16xf32>,
      %swap3A_353 = arith.constant 0 : i32
      %swap3A_354 = tpu.memref_slice %arg12[%add3A_318, %swap3A_353] : memref<512x64xf32, #tpu.memory_space<vmem>> -> memref<1x64xf32, #tpu.memory_space<vmem>>
      %swap3A_355 = tpu.memref_squeeze %swap3A_354 : memref<1x64xf32, #tpu.memory_space<vmem>> -> memref<64xf32, #tpu.memory_space<vmem>>
      %swap3A_356 = arith.constant 16 : index
      %swap3A_357 = tpu.vector_load %swap3A_355[%swap3A_356] {strides = array<i32>} : memref<64xf32, #tpu.memory_space<vmem>>, vector<16xf32>,
      tpu.vector_store %swap3A_355[%swap3A_356], %gather3A_352 {strides = array<i32>} : memref<64xf32, #tpu.memory_space<vmem>>, vector<16xf32>,
      %add3A_358 = arith.constant 32 : i32
      %add3A_359 = vector.broadcast %add3A_358 : i32 to vector<16xi32>
      %add3A_360 = arith.addi %iota3A, %add3A_359 : vector<16xi32>
      %gather3A_361 = arith.constant 0 : i32
      %gather3A_362 = arith.constant 0 : i32
      %gather3A_363 = arith.constant 0 : i32
      %gather3A_364 = tpu.memref_slice %arg11[%gather3A_361, %gather3A_362, %gather3A_363] : memref<6x64x128xf32, #tpu.memory_space<vmem>> -> memref<1x64x128xf32, #tpu.memory_space<vmem>>
      %gather3A_365 = tpu.memref_squeeze %gather3A_364 : memref<1x64x128xf32, #tpu.memory_space<vmem>> -> memref<64x128xf32, #tpu.memory_space<vmem>>
      %gather3A_366 = tpu.vector_load_idx %gather3A_365[%add3A_360, %broadcast_in_dim3A_329] : memref<64x128xf32, #tpu.memory_space<vmem>>[vector<16xi32>, vector<16xi32>], vector<16xf32>,
      %swap3A_367 = arith.constant 0 : i32
      %swap3A_368 = tpu.memref_slice %arg12[%add3A_318, %swap3A_367] : memref<512x64xf32, #tpu.memory_space<vmem>> -> memref<1x64xf32, #tpu.memory_space<vmem>>
      %swap3A_369 = tpu.memref_squeeze %swap3A_368 : memref<1x64xf32, #tpu.memory_space<vmem>> -> memref<64xf32, #tpu.memory_space<vmem>>
      %swap3A_370 = arith.constant 32 : index
      %swap3A_371 = tpu.vector_load %swap3A_369[%swap3A_370] {strides = array<i32>} : memref<64xf32, #tpu.memory_space<vmem>>, vector<16xf32>,
      tpu.vector_store %swap3A_369[%swap3A_370], %gather3A_366 {strides = array<i32>} : memref<64xf32, #tpu.memory_space<vmem>>, vector<16xf32>,
      %add3A_372 = arith.constant 48 : i32
      %add3A_373 = vector.broadcast %add3A_372 : i32 to vector<16xi32>
      %add3A_374 = arith.addi %iota3A, %add3A_373 : vector<16xi32>
      %gather3A_375 = arith.constant 0 : i32
      %gather3A_376 = arith.constant 0 : i32
      %gather3A_377 = arith.constant 0 : i32
      %gather3A_378 = tpu.memref_slice %arg11[%gather3A_375, %gather3A_376, %gather3A_377] : memref<6x64x128xf32, #tpu.memory_space<vmem>> -> memref<1x64x128xf32, #tpu.memory_space<vmem>>
      %gather3A_379 = tpu.memref_squeeze %gather3A_378 : memref<1x64x128xf32, #tpu.memory_space<vmem>> -> memref<64x128xf32, #tpu.memory_space<vmem>>
      %gather3A_380 = tpu.vector_load_idx %gather3A_379[%add3A_374, %broadcast_in_dim3A_329] : memref<64x128xf32, #tpu.memory_space<vmem>>[vector<16xi32>, vector<16xi32>], vector<16xf32>,
      %swap3A_381 = arith.constant 0 : i32
      %swap3A_382 = tpu.memref_slice %arg12[%add3A_318, %swap3A_381] : memref<512x64xf32, #tpu.memory_space<vmem>> -> memref<1x64xf32, #tpu.memory_space<vmem>>
      %swap3A_383 = tpu.memref_squeeze %swap3A_382 : memref<1x64xf32, #tpu.memory_space<vmem>> -> memref<64xf32, #tpu.memory_space<vmem>>
      %swap3A_384 = arith.constant 48 : index
      %swap3A_385 = tpu.vector_load %swap3A_383[%swap3A_384] {strides = array<i32>} : memref<64xf32, #tpu.memory_space<vmem>>, vector<16xf32>,
      tpu.vector_store %swap3A_383[%swap3A_384], %gather3A_380 {strides = array<i32>} : memref<64xf32, #tpu.memory_space<vmem>>, vector<16xf32>,
      %add3A_386 = arith.constant 0 : i32
      %add3A_387 = arith.addi %mul3A_307, %add3A_386 : i32
      %add3A_388 = arith.constant 6 : i32
      %add3A_389 = arith.addi %add3A_387, %add3A_388 : i32
      %lt3A_390 = arith.constant 512 : i32
      %lt3A_391 = arith.cmpi slt, %add3A_389, %lt3A_390 : i32
      %convert_element_type3A_392 = arith.extui %lt3A_391 : i1 to i32
      %cond3A_393 = arith.constant 0 : i32
      %cond3A_394 = arith.cmpi ne, %convert_element_type3A_392, %cond3A_393 : i32
      scf.if %cond3A_394 {
        %add3A_831 = arith.constant 0 : i32
        %add3A_832 = arith.addi %mul3A_307, %add3A_831 : i32
        %add3A_833 = arith.constant 6 : i32
        %add3A_834 = arith.addi %add3A_832, %add3A_833 : i32
        %get3A_835 = arith.index_cast %add3A_834 : i32 to index
        %get3A_836 = memref.load %arg8[%get3A_835] : memref<512xi32, #tpu.memory_space<smem>>
        %ne3A_837 = arith.constant 0 : i32
        %ne3A_838 = arith.cmpi ne, %get3A_836, %ne3A_837 : i32
        %get3A_839 = arith.index_cast %add3A_834 : i32 to index
        %get3A_840 = memref.load %arg7[%get3A_839] : memref<512xi32, #tpu.memory_space<smem>>
        %select_n3A_841 = arith.constant 1000000 : i32
        %select_n3A_842 = arith.select %ne3A_838, %select_n3A_841, %get3A_840 : i32
        %shift_right_arithmetic3A_843 = arith.constant 7 : i32
        %shift_right_arithmetic3A_844 = arith.shrsi %select_n3A_842, %shift_right_arithmetic3A_843 : i32
        %lt3A_845 = arith.constant 7812 : i32
        %lt3A_846 = arith.cmpi slt, %shift_right_arithmetic3A_844, %lt3A_845 : i32
        %convert_element_type3A_847 = arith.extui %lt3A_846 : i1 to i32
        %cond3A_848 = arith.constant 0 : i32
        %cond3A_849 = arith.constant 0 : i32
        %cond3A_850 = arith.cmpi ne, %convert_element_type3A_847, %cond3A_849 : i32
        scf.if %cond3A_850 {
          %mul3A_857 = arith.constant 128 : i32
          %mul3A_858 = arith.muli %shift_right_arithmetic3A_844, %mul3A_857 : i32
          %multiple_of3A = tpu.assume_multiple %mul3A_858, 128 : i32
          %dma_start3A = arith.constant 0 : i32
          %dma_start3A_859 = arith.constant 0 : i32
          %dma_start3A_860 = tpu.memref_slice %arg11[%cond3A_848, %dma_start3A, %dma_start3A_859] : memref<6x64x128xf32, #tpu.memory_space<vmem>> -> memref<1x64x128xf32, #tpu.memory_space<vmem>>
          %dma_start3A_861 = tpu.memref_squeeze %dma_start3A_860 : memref<1x64x128xf32, #tpu.memory_space<vmem>> -> memref<64x128xf32, #tpu.memory_space<vmem>>
          %dma_start3A_862 = arith.constant 0 : i32
          %dma_start3A_863 = tpu.memref_slice %arg4[%dma_start3A_862, %multiple_of3A] : memref<64x1000001xf32, #tpu.memory_space<hbm>> -> memref<64x128xf32, #tpu.memory_space<hbm>>
          %dma_start3A_864 = arith.constant 0 : i32
          %dma_start3A_865 = arith.constant 0 : i32
          %dma_start3A_866 = tpu.memref_slice %arg11[%cond3A_848, %dma_start3A_864, %dma_start3A_865] : memref<6x64x128xf32, #tpu.memory_space<vmem>> -> memref<1x64x128xf32, #tpu.memory_space<vmem>>
          %dma_start3A_867 = tpu.memref_squeeze %dma_start3A_866 : memref<1x64x128xf32, #tpu.memory_space<vmem>> -> memref<64x128xf32, #tpu.memory_space<vmem>>
          %dma_start3A_868 = arith.constant 0 : i32
          %dma_start3A_869 = tpu.memref_slice %arg4[%dma_start3A_868, %multiple_of3A] : memref<64x1000001xf32, #tpu.memory_space<hbm>> -> memref<64x128xf32, #tpu.memory_space<hbm>>
          tpu.enqueue_dma source(%dma_start3A_869 : memref<64x128xf32, #tpu.memory_space<hbm>>) target(%dma_start3A_867 : memref<64x128xf32, #tpu.memory_space<vmem>>) target_semaphore(%arg13 : memref<!tpu.dma_semaphore, #tpu.memory_space<semaphore_mem>>)
        } else {
        }
        %eq3A_851 = arith.constant 7812 : i32
        %eq3A_852 = arith.cmpi eq, %shift_right_arithmetic3A_844, %eq3A_851 : i32
        %convert_element_type3A_853 = arith.extui %eq3A_852 : i1 to i32
        %cond3A_854 = arith.constant 0 : i32
        %cond3A_855 = arith.constant 0 : i32
        %cond3A_856 = arith.cmpi ne, %convert_element_type3A_853, %cond3A_855 : i32
        scf.if %cond3A_856 {
          %dma_start3A = arith.constant 0 : i32
          %dma_start3A_857 = arith.constant 0 : i32
          %dma_start3A_858 = tpu.memref_slice %arg11[%cond3A_854, %dma_start3A, %dma_start3A_857] : memref<6x64x128xf32, #tpu.memory_space<vmem>> -> memref<1x64x128xf32, #tpu.memory_space<vmem>>
          %dma_start3A_859 = tpu.memref_squeeze %dma_start3A_858 : memref<1x64x128xf32, #tpu.memory_space<vmem>> -> memref<64x128xf32, #tpu.memory_space<vmem>>
          %dma_start3A_860 = arith.constant 0 : i32
          %dma_start3A_861 = arith.constant 0 : i32
          %dma_start3A_862 = tpu.memref_slice %arg11[%cond3A_854, %dma_start3A_860, %dma_start3A_861] : memref<6x64x128xf32, #tpu.memory_space<vmem>> -> memref<1x64x128xf32, #tpu.memory_space<vmem>>
          %dma_start3A_863 = tpu.memref_squeeze %dma_start3A_862 : memref<1x64x128xf32, #tpu.memory_space<vmem>> -> memref<64x128xf32, #tpu.memory_space<vmem>>
          tpu.enqueue_dma source(%arg5 : memref<64x128xf32, #tpu.memory_space<hbm>>) target(%dma_start3A_863 : memref<64x128xf32, #tpu.memory_space<vmem>>) target_semaphore(%arg13 : memref<!tpu.dma_semaphore, #tpu.memory_space<semaphore_mem>>)
        } else {
        }
      } else {
      }
      %dma_wait3A_395 = arith.constant 1 : i32
      %dma_wait3A_396 = arith.constant 0 : i32
      %dma_wait3A_397 = arith.constant 0 : i32
      %dma_wait3A_398 = tpu.memref_slice %arg11[%dma_wait3A_395, %dma_wait3A_396, %dma_wait3A_397] : memref<6x64x128xf32, #tpu.memory_space<vmem>> -> memref<1x64x128xf32, #tpu.memory_space<vmem>>
      %dma_wait3A_399 = tpu.memref_squeeze %dma_wait3A_398 : memref<1x64x128xf32, #tpu.memory_space<vmem>> -> memref<64x128xf32, #tpu.memory_space<vmem>>
      %dma_wait3A_400 = arith.constant 0 : i32
      %dma_wait3A_401 = arith.constant 0 : i32
      %dma_wait3A_402 = tpu.memref_slice %arg11[%dma_wait3A_395, %dma_wait3A_400, %dma_wait3A_401] : memref<6x64x128xf32, #tpu.memory_space<vmem>> -> memref<1x64x128xf32, #tpu.memory_space<vmem>>
      %dma_wait3A_403 = tpu.memref_squeeze %dma_wait3A_402 : memref<1x64x128xf32, #tpu.memory_space<vmem>> -> memref<64x128xf32, #tpu.memory_space<vmem>>
      tpu.wait_dma2 semaphore(%arg14 : memref<!tpu.dma_semaphore, #tpu.memory_space<semaphore_mem>>) src(%arg5 : memref<64x128xf32, #tpu.memory_space<hbm>>) dst(%dma_wait3A_403 : memref<64x128xf32, #tpu.memory_space<vmem>>)
      %add3A_404 = arith.constant 1 : i32
      %add3A_405 = arith.addi %mul3A_307, %add3A_404 : i32
      %get3A_406 = arith.index_cast %add3A_405 : i32 to index
      %get3A_407 = memref.load %arg8[%get3A_406] : memref<512xi32, #tpu.memory_space<smem>>
      %ne3A_408 = arith.constant 0 : i32
      %ne3A_409 = arith.cmpi ne, %get3A_407, %ne3A_408 : i32
      %get3A_410 = arith.index_cast %add3A_405 : i32 to index
      %get3A_411 = memref.load %arg7[%get3A_410] : memref<512xi32, #tpu.memory_space<smem>>
      %select_n3A_412 = arith.constant 1000000 : i32
      %select_n3A_413 = arith.select %ne3A_409, %select_n3A_412, %get3A_411 : i32
      %and3A_414 = arith.constant 127 : i32
      %and3A_415 = arith.andi %select_n3A_413, %and3A_414 : i32
      %broadcast_in_dim3A_416 = vector.broadcast %and3A_415 : i32 to vector<16xi32>
      %add3A_417 = arith.constant 0 : i32
      %add3A_418 = vector.broadcast %add3A_417 : i32 to vector<16xi32>
      %add3A_419 = arith.addi %iota3A, %add3A_418 : vector<16xi32>
      %gather3A_420 = arith.constant 1 : i32
      %gather3A_421 = arith.constant 0 : i32
      %gather3A_422 = arith.constant 0 : i32
      %gather3A_423 = tpu.memref_slice %arg11[%gather3A_420, %gather3A_421, %gather3A_422] : memref<6x64x128xf32, #tpu.memory_space<vmem>> -> memref<1x64x128xf32, #tpu.memory_space<vmem>>
      %gather3A_424 = tpu.memref_squeeze %gather3A_423 : memref<1x64x128xf32, #tpu.memory_space<vmem>> -> memref<64x128xf32, #tpu.memory_space<vmem>>
      %gather3A_425 = tpu.vector_load_idx %gather3A_424[%add3A_419, %broadcast_in_dim3A_416] : memref<64x128xf32, #tpu.memory_space<vmem>>[vector<16xi32>, vector<16xi32>], vector<16xf32>,
      %swap3A_426 = arith.constant 0 : i32
      %swap3A_427 = tpu.memref_slice %arg12[%add3A_405, %swap3A_426] : memref<512x64xf32, #tpu.memory_space<vmem>> -> memref<1x64xf32, #tpu.memory_space<vmem>>
      %swap3A_428 = tpu.memref_squeeze %swap3A_427 : memref<1x64xf32, #tpu.memory_space<vmem>> -> memref<64xf32, #tpu.memory_space<vmem>>
      %swap3A_429 = arith.constant 0 : index
      %swap3A_430 = tpu.vector_load %swap3A_428[%swap3A_429] {strides = array<i32>} : memref<64xf32, #tpu.memory_space<vmem>>, vector<16xf32>,
      tpu.vector_store %swap3A_428[%swap3A_429], %gather3A_425 {strides = array<i32>} : memref<64xf32, #tpu.memory_space<vmem>>, vector<16xf32>,
      %add3A_431 = arith.constant 16 : i32
      %add3A_432 = vector.broadcast %add3A_431 : i32 to vector<16xi32>
      %add3A_433 = arith.addi %iota3A, %add3A_432 : vector<16xi32>
      %gather3A_434 = arith.constant 1 : i32
      %gather3A_435 = arith.constant 0 : i32
      %gather3A_436 = arith.constant 0 : i32
      %gather3A_437 = tpu.memref_slice %arg11[%gather3A_434, %gather3A_435, %gather3A_436] : memref<6x64x128xf32, #tpu.memory_space<vmem>> -> memref<1x64x128xf32, #tpu.memory_space<vmem>>
      %gather3A_438 = tpu.memref_squeeze %gather3A_437 : memref<1x64x128xf32, #tpu.memory_space<vmem>> -> memref<64x128xf32, #tpu.memory_space<vmem>>
      %gather3A_439 = tpu.vector_load_idx %gather3A_438[%add3A_433, %broadcast_in_dim3A_416] : memref<64x128xf32, #tpu.memory_space<vmem>>[vector<16xi32>, vector<16xi32>], vector<16xf32>,
      %swap3A_440 = arith.constant 0 : i32
      %swap3A_441 = tpu.memref_slice %arg12[%add3A_405, %swap3A_440] : memref<512x64xf32, #tpu.memory_space<vmem>> -> memref<1x64xf32, #tpu.memory_space<vmem>>
      %swap3A_442 = tpu.memref_squeeze %swap3A_441 : memref<1x64xf32, #tpu.memory_space<vmem>> -> memref<64xf32, #tpu.memory_space<vmem>>
      %swap3A_443 = arith.constant 16 : index
      %swap3A_444 = tpu.vector_load %swap3A_442[%swap3A_443] {strides = array<i32>} : memref<64xf32, #tpu.memory_space<vmem>>, vector<16xf32>,
      tpu.vector_store %swap3A_442[%swap3A_443], %gather3A_439 {strides = array<i32>} : memref<64xf32, #tpu.memory_space<vmem>>, vector<16xf32>,
      %add3A_445 = arith.constant 32 : i32
      %add3A_446 = vector.broadcast %add3A_445 : i32 to vector<16xi32>
      %add3A_447 = arith.addi %iota3A, %add3A_446 : vector<16xi32>
      %gather3A_448 = arith.constant 1 : i32
      %gather3A_449 = arith.constant 0 : i32
      %gather3A_450 = arith.constant 0 : i32
      %gather3A_451 = tpu.memref_slice %arg11[%gather3A_448, %gather3A_449, %gather3A_450] : memref<6x64x128xf32, #tpu.memory_space<vmem>> -> memref<1x64x128xf32, #tpu.memory_space<vmem>>
      %gather3A_452 = tpu.memref_squeeze %gather3A_451 : memref<1x64x128xf32, #tpu.memory_space<vmem>> -> memref<64x128xf32, #tpu.memory_space<vmem>>
      %gather3A_453 = tpu.vector_load_idx %gather3A_452[%add3A_447, %broadcast_in_dim3A_416] : memref<64x128xf32, #tpu.memory_space<vmem>>[vector<16xi32>, vector<16xi32>], vector<16xf32>,
      %swap3A_454 = arith.constant 0 : i32
      %swap3A_455 = tpu.memref_slice %arg12[%add3A_405, %swap3A_454] : memref<512x64xf32, #tpu.memory_space<vmem>> -> memref<1x64xf32, #tpu.memory_space<vmem>>
      %swap3A_456 = tpu.memref_squeeze %swap3A_455 : memref<1x64xf32, #tpu.memory_space<vmem>> -> memref<64xf32, #tpu.memory_space<vmem>>
      %swap3A_457 = arith.constant 32 : index
      %swap3A_458 = tpu.vector_load %swap3A_456[%swap3A_457] {strides = array<i32>} : memref<64xf32, #tpu.memory_space<vmem>>, vector<16xf32>,
      tpu.vector_store %swap3A_456[%swap3A_457], %gather3A_453 {strides = array<i32>} : memref<64xf32, #tpu.memory_space<vmem>>, vector<16xf32>,
      %add3A_459 = arith.constant 48 : i32
      %add3A_460 = vector.broadcast %add3A_459 : i32 to vector<16xi32>
      %add3A_461 = arith.addi %iota3A, %add3A_460 : vector<16xi32>
      %gather3A_462 = arith.constant 1 : i32
      %gather3A_463 = arith.constant 0 : i32
      %gather3A_464 = arith.constant 0 : i32
      %gather3A_465 = tpu.memref_slice %arg11[%gather3A_462, %gather3A_463, %gather3A_464] : memref<6x64x128xf32, #tpu.memory_space<vmem>> -> memref<1x64x128xf32, #tpu.memory_space<vmem>>
      %gather3A_466 = tpu.memref_squeeze %gather3A_465 : memref<1x64x128xf32, #tpu.memory_space<vmem>> -> memref<64x128xf32, #tpu.memory_space<vmem>>
      %gather3A_467 = tpu.vector_load_idx %gather3A_466[%add3A_461, %broadcast_in_dim3A_416] : memref<64x128xf32, #tpu.memory_space<vmem>>[vector<16xi32>, vector<16xi32>], vector<16xf32>,
      %swap3A_468 = arith.constant 0 : i32
      %swap3A_469 = tpu.memref_slice %arg12[%add3A_405, %swap3A_468] : memref<512x64xf32, #tpu.memory_space<vmem>> -> memref<1x64xf32, #tpu.memory_space<vmem>>
      %swap3A_470 = tpu.memref_squeeze %swap3A_469 : memref<1x64xf32, #tpu.memory_space<vmem>> -> memref<64xf32, #tpu.memory_space<vmem>>
      %swap3A_471 = arith.constant 48 : index
      %swap3A_472 = tpu.vector_load %swap3A_470[%swap3A_471] {strides = array<i32>} : memref<64xf32, #tpu.memory_space<vmem>>, vector<16xf32>,
      tpu.vector_store %swap3A_470[%swap3A_471], %gather3A_467 {strides = array<i32>} : memref<64xf32, #tpu.memory_space<vmem>>, vector<16xf32>,
      %add3A_473 = arith.constant 1 : i32
      %add3A_474 = arith.addi %mul3A_307, %add3A_473 : i32
      %add3A_475 = arith.constant 6 : i32
      %add3A_476 = arith.addi %add3A_474, %add3A_475 : i32
      %lt3A_477 = arith.constant 512 : i32
      %lt3A_478 = arith.cmpi slt, %add3A_476, %lt3A_477 : i32
      %convert_element_type3A_479 = arith.extui %lt3A_478 : i1 to i32
      %cond3A_480 = arith.constant 0 : i32
      %cond3A_481 = arith.cmpi ne, %convert_element_type3A_479, %cond3A_480 : i32
      scf.if %cond3A_481 {
        %add3A_831 = arith.constant 1 : i32
        %add3A_832 = arith.addi %mul3A_307, %add3A_831 : i32
        %add3A_833 = arith.constant 6 : i32
        %add3A_834 = arith.addi %add3A_832, %add3A_833 : i32
        %get3A_835 = arith.index_cast %add3A_834 : i32 to index
        %get3A_836 = memref.load %arg8[%get3A_835] : memref<512xi32, #tpu.memory_space<smem>>
        %ne3A_837 = arith.constant 0 : i32
        %ne3A_838 = arith.cmpi ne, %get3A_836, %ne3A_837 : i32
        %get3A_839 = arith.index_cast %add3A_834 : i32 to index
        %get3A_840 = memref.load %arg7[%get3A_839] : memref<512xi32, #tpu.memory_space<smem>>
        %select_n3A_841 = arith.constant 1000000 : i32
        %select_n3A_842 = arith.select %ne3A_838, %select_n3A_841, %get3A_840 : i32
        %shift_right_arithmetic3A_843 = arith.constant 7 : i32
        %shift_right_arithmetic3A_844 = arith.shrsi %select_n3A_842, %shift_right_arithmetic3A_843 : i32
        %lt3A_845 = arith.constant 7812 : i32
        %lt3A_846 = arith.cmpi slt, %shift_right_arithmetic3A_844, %lt3A_845 : i32
        %convert_element_type3A_847 = arith.extui %lt3A_846 : i1 to i32
        %cond3A_848 = arith.constant 1 : i32
        %cond3A_849 = arith.constant 0 : i32
        %cond3A_850 = arith.cmpi ne, %convert_element_type3A_847, %cond3A_849 : i32
        scf.if %cond3A_850 {
          %mul3A_857 = arith.constant 128 : i32
          %mul3A_858 = arith.muli %shift_right_arithmetic3A_844, %mul3A_857 : i32
          %multiple_of3A = tpu.assume_multiple %mul3A_858, 128 : i32
          %dma_start3A = arith.constant 0 : i32
          %dma_start3A_859 = arith.constant 0 : i32
          %dma_start3A_860 = tpu.memref_slice %arg11[%cond3A_848, %dma_start3A, %dma_start3A_859] : memref<6x64x128xf32, #tpu.memory_space<vmem>> -> memref<1x64x128xf32, #tpu.memory_space<vmem>>
          %dma_start3A_861 = tpu.memref_squeeze %dma_start3A_860 : memref<1x64x128xf32, #tpu.memory_space<vmem>> -> memref<64x128xf32, #tpu.memory_space<vmem>>
          %dma_start3A_862 = arith.constant 0 : i32
          %dma_start3A_863 = tpu.memref_slice %arg4[%dma_start3A_862, %multiple_of3A] : memref<64x1000001xf32, #tpu.memory_space<hbm>> -> memref<64x128xf32, #tpu.memory_space<hbm>>
          %dma_start3A_864 = arith.constant 0 : i32
          %dma_start3A_865 = arith.constant 0 : i32
          %dma_start3A_866 = tpu.memref_slice %arg11[%cond3A_848, %dma_start3A_864, %dma_start3A_865] : memref<6x64x128xf32, #tpu.memory_space<vmem>> -> memref<1x64x128xf32, #tpu.memory_space<vmem>>
          %dma_start3A_867 = tpu.memref_squeeze %dma_start3A_866 : memref<1x64x128xf32, #tpu.memory_space<vmem>> -> memref<64x128xf32, #tpu.memory_space<vmem>>
          %dma_start3A_868 = arith.constant 0 : i32
          %dma_start3A_869 = tpu.memref_slice %arg4[%dma_start3A_868, %multiple_of3A] : memref<64x1000001xf32, #tpu.memory_space<hbm>> -> memref<64x128xf32, #tpu.memory_space<hbm>>
          tpu.enqueue_dma source(%dma_start3A_869 : memref<64x128xf32, #tpu.memory_space<hbm>>) target(%dma_start3A_867 : memref<64x128xf32, #tpu.memory_space<vmem>>) target_semaphore(%arg14 : memref<!tpu.dma_semaphore, #tpu.memory_space<semaphore_mem>>)
        } else {
        }
        %eq3A_851 = arith.constant 7812 : i32
        %eq3A_852 = arith.cmpi eq, %shift_right_arithmetic3A_844, %eq3A_851 : i32
        %convert_element_type3A_853 = arith.extui %eq3A_852 : i1 to i32
        %cond3A_854 = arith.constant 1 : i32
        %cond3A_855 = arith.constant 0 : i32
        %cond3A_856 = arith.cmpi ne, %convert_element_type3A_853, %cond3A_855 : i32
        scf.if %cond3A_856 {
          %dma_start3A = arith.constant 0 : i32
          %dma_start3A_857 = arith.constant 0 : i32
          %dma_start3A_858 = tpu.memref_slice %arg11[%cond3A_854, %dma_start3A, %dma_start3A_857] : memref<6x64x128xf32, #tpu.memory_space<vmem>> -> memref<1x64x128xf32, #tpu.memory_space<vmem>>
          %dma_start3A_859 = tpu.memref_squeeze %dma_start3A_858 : memref<1x64x128xf32, #tpu.memory_space<vmem>> -> memref<64x128xf32, #tpu.memory_space<vmem>>
          %dma_start3A_860 = arith.constant 0 : i32
          %dma_start3A_861 = arith.constant 0 : i32
          %dma_start3A_862 = tpu.memref_slice %arg11[%cond3A_854, %dma_start3A_860, %dma_start3A_861] : memref<6x64x128xf32, #tpu.memory_space<vmem>> -> memref<1x64x128xf32, #tpu.memory_space<vmem>>
          %dma_start3A_863 = tpu.memref_squeeze %dma_start3A_862 : memref<1x64x128xf32, #tpu.memory_space<vmem>> -> memref<64x128xf32, #tpu.memory_space<vmem>>
          tpu.enqueue_dma source(%arg5 : memref<64x128xf32, #tpu.memory_space<hbm>>) target(%dma_start3A_863 : memref<64x128xf32, #tpu.memory_space<vmem>>) target_semaphore(%arg14 : memref<!tpu.dma_semaphore, #tpu.memory_space<semaphore_mem>>)
        } else {
        }
      } else {
      }
      %dma_wait3A_482 = arith.constant 2 : i32
      %dma_wait3A_483 = arith.constant 0 : i32
      %dma_wait3A_484 = arith.constant 0 : i32
      %dma_wait3A_485 = tpu.memref_slice %arg11[%dma_wait3A_482, %dma_wait3A_483, %dma_wait3A_484] : memref<6x64x128xf32, #tpu.memory_space<vmem>> -> memref<1x64x128xf32, #tpu.memory_space<vmem>>
      %dma_wait3A_486 = tpu.memref_squeeze %dma_wait3A_485 : memref<1x64x128xf32, #tpu.memory_space<vmem>> -> memref<64x128xf32, #tpu.memory_space<vmem>>
      %dma_wait3A_487 = arith.constant 0 : i32
      %dma_wait3A_488 = arith.constant 0 : i32
      %dma_wait3A_489 = tpu.memref_slice %arg11[%dma_wait3A_482, %dma_wait3A_487, %dma_wait3A_488] : memref<6x64x128xf32, #tpu.memory_space<vmem>> -> memref<1x64x128xf32, #tpu.memory_space<vmem>>
      %dma_wait3A_490 = tpu.memref_squeeze %dma_wait3A_489 : memref<1x64x128xf32, #tpu.memory_space<vmem>> -> memref<64x128xf32, #tpu.memory_space<vmem>>
      tpu.wait_dma2 semaphore(%arg15 : memref<!tpu.dma_semaphore, #tpu.memory_space<semaphore_mem>>) src(%arg5 : memref<64x128xf32, #tpu.memory_space<hbm>>) dst(%dma_wait3A_490 : memref<64x128xf32, #tpu.memory_space<vmem>>)
      %add3A_491 = arith.constant 2 : i32
      %add3A_492 = arith.addi %mul3A_307, %add3A_491 : i32
      %get3A_493 = arith.index_cast %add3A_492 : i32 to index
      %get3A_494 = memref.load %arg8[%get3A_493] : memref<512xi32, #tpu.memory_space<smem>>
      %ne3A_495 = arith.constant 0 : i32
      %ne3A_496 = arith.cmpi ne, %get3A_494, %ne3A_495 : i32
      %get3A_497 = arith.index_cast %add3A_492 : i32 to index
      %get3A_498 = memref.load %arg7[%get3A_497] : memref<512xi32, #tpu.memory_space<smem>>
      %select_n3A_499 = arith.constant 1000000 : i32
      %select_n3A_500 = arith.select %ne3A_496, %select_n3A_499, %get3A_498 : i32
      %and3A_501 = arith.constant 127 : i32
      %and3A_502 = arith.andi %select_n3A_500, %and3A_501 : i32
      %broadcast_in_dim3A_503 = vector.broadcast %and3A_502 : i32 to vector<16xi32>
      %add3A_504 = arith.constant 0 : i32
      %add3A_505 = vector.broadcast %add3A_504 : i32 to vector<16xi32>
      %add3A_506 = arith.addi %iota3A, %add3A_505 : vector<16xi32>
      %gather3A_507 = arith.constant 2 : i32
      %gather3A_508 = arith.constant 0 : i32
      %gather3A_509 = arith.constant 0 : i32
      %gather3A_510 = tpu.memref_slice %arg11[%gather3A_507, %gather3A_508, %gather3A_509] : memref<6x64x128xf32, #tpu.memory_space<vmem>> -> memref<1x64x128xf32, #tpu.memory_space<vmem>>
      %gather3A_511 = tpu.memref_squeeze %gather3A_510 : memref<1x64x128xf32, #tpu.memory_space<vmem>> -> memref<64x128xf32, #tpu.memory_space<vmem>>
      %gather3A_512 = tpu.vector_load_idx %gather3A_511[%add3A_506, %broadcast_in_dim3A_503] : memref<64x128xf32, #tpu.memory_space<vmem>>[vector<16xi32>, vector<16xi32>], vector<16xf32>,
      %swap3A_513 = arith.constant 0 : i32
      %swap3A_514 = tpu.memref_slice %arg12[%add3A_492, %swap3A_513] : memref<512x64xf32, #tpu.memory_space<vmem>> -> memref<1x64xf32, #tpu.memory_space<vmem>>
      %swap3A_515 = tpu.memref_squeeze %swap3A_514 : memref<1x64xf32, #tpu.memory_space<vmem>> -> memref<64xf32, #tpu.memory_space<vmem>>
      %swap3A_516 = arith.constant 0 : index
      %swap3A_517 = tpu.vector_load %swap3A_515[%swap3A_516] {strides = array<i32>} : memref<64xf32, #tpu.memory_space<vmem>>, vector<16xf32>,
      tpu.vector_store %swap3A_515[%swap3A_516], %gather3A_512 {strides = array<i32>} : memref<64xf32, #tpu.memory_space<vmem>>, vector<16xf32>,
      %add3A_518 = arith.constant 16 : i32
      %add3A_519 = vector.broadcast %add3A_518 : i32 to vector<16xi32>
      %add3A_520 = arith.addi %iota3A, %add3A_519 : vector<16xi32>
      %gather3A_521 = arith.constant 2 : i32
      %gather3A_522 = arith.constant 0 : i32
      %gather3A_523 = arith.constant 0 : i32
      %gather3A_524 = tpu.memref_slice %arg11[%gather3A_521, %gather3A_522, %gather3A_523] : memref<6x64x128xf32, #tpu.memory_space<vmem>> -> memref<1x64x128xf32, #tpu.memory_space<vmem>>
      %gather3A_525 = tpu.memref_squeeze %gather3A_524 : memref<1x64x128xf32, #tpu.memory_space<vmem>> -> memref<64x128xf32, #tpu.memory_space<vmem>>
      %gather3A_526 = tpu.vector_load_idx %gather3A_525[%add3A_520, %broadcast_in_dim3A_503] : memref<64x128xf32, #tpu.memory_space<vmem>>[vector<16xi32>, vector<16xi32>], vector<16xf32>,
      %swap3A_527 = arith.constant 0 : i32
      %swap3A_528 = tpu.memref_slice %arg12[%add3A_492, %swap3A_527] : memref<512x64xf32, #tpu.memory_space<vmem>> -> memref<1x64xf32, #tpu.memory_space<vmem>>
      %swap3A_529 = tpu.memref_squeeze %swap3A_528 : memref<1x64xf32, #tpu.memory_space<vmem>> -> memref<64xf32, #tpu.memory_space<vmem>>
      %swap3A_530 = arith.constant 16 : index
      %swap3A_531 = tpu.vector_load %swap3A_529[%swap3A_530] {strides = array<i32>} : memref<64xf32, #tpu.memory_space<vmem>>, vector<16xf32>,
      tpu.vector_store %swap3A_529[%swap3A_530], %gather3A_526 {strides = array<i32>} : memref<64xf32, #tpu.memory_space<vmem>>, vector<16xf32>,
      %add3A_532 = arith.constant 32 : i32
      %add3A_533 = vector.broadcast %add3A_532 : i32 to vector<16xi32>
      %add3A_534 = arith.addi %iota3A, %add3A_533 : vector<16xi32>
      %gather3A_535 = arith.constant 2 : i32
      %gather3A_536 = arith.constant 0 : i32
      %gather3A_537 = arith.constant 0 : i32
      %gather3A_538 = tpu.memref_slice %arg11[%gather3A_535, %gather3A_536, %gather3A_537] : memref<6x64x128xf32, #tpu.memory_space<vmem>> -> memref<1x64x128xf32, #tpu.memory_space<vmem>>
      %gather3A_539 = tpu.memref_squeeze %gather3A_538 : memref<1x64x128xf32, #tpu.memory_space<vmem>> -> memref<64x128xf32, #tpu.memory_space<vmem>>
      %gather3A_540 = tpu.vector_load_idx %gather3A_539[%add3A_534, %broadcast_in_dim3A_503] : memref<64x128xf32, #tpu.memory_space<vmem>>[vector<16xi32>, vector<16xi32>], vector<16xf32>,
      %swap3A_541 = arith.constant 0 : i32
      %swap3A_542 = tpu.memref_slice %arg12[%add3A_492, %swap3A_541] : memref<512x64xf32, #tpu.memory_space<vmem>> -> memref<1x64xf32, #tpu.memory_space<vmem>>
      %swap3A_543 = tpu.memref_squeeze %swap3A_542 : memref<1x64xf32, #tpu.memory_space<vmem>> -> memref<64xf32, #tpu.memory_space<vmem>>
      %swap3A_544 = arith.constant 32 : index
      %swap3A_545 = tpu.vector_load %swap3A_543[%swap3A_544] {strides = array<i32>} : memref<64xf32, #tpu.memory_space<vmem>>, vector<16xf32>,
      tpu.vector_store %swap3A_543[%swap3A_544], %gather3A_540 {strides = array<i32>} : memref<64xf32, #tpu.memory_space<vmem>>, vector<16xf32>,
      %add3A_546 = arith.constant 48 : i32
      %add3A_547 = vector.broadcast %add3A_546 : i32 to vector<16xi32>
      %add3A_548 = arith.addi %iota3A, %add3A_547 : vector<16xi32>
      %gather3A_549 = arith.constant 2 : i32
      %gather3A_550 = arith.constant 0 : i32
      %gather3A_551 = arith.constant 0 : i32
      %gather3A_552 = tpu.memref_slice %arg11[%gather3A_549, %gather3A_550, %gather3A_551] : memref<6x64x128xf32, #tpu.memory_space<vmem>> -> memref<1x64x128xf32, #tpu.memory_space<vmem>>
      %gather3A_553 = tpu.memref_squeeze %gather3A_552 : memref<1x64x128xf32, #tpu.memory_space<vmem>> -> memref<64x128xf32, #tpu.memory_space<vmem>>
      %gather3A_554 = tpu.vector_load_idx %gather3A_553[%add3A_548, %broadcast_in_dim3A_503] : memref<64x128xf32, #tpu.memory_space<vmem>>[vector<16xi32>, vector<16xi32>], vector<16xf32>,
      %swap3A_555 = arith.constant 0 : i32
      %swap3A_556 = tpu.memref_slice %arg12[%add3A_492, %swap3A_555] : memref<512x64xf32, #tpu.memory_space<vmem>> -> memref<1x64xf32, #tpu.memory_space<vmem>>
      %swap3A_557 = tpu.memref_squeeze %swap3A_556 : memref<1x64xf32, #tpu.memory_space<vmem>> -> memref<64xf32, #tpu.memory_space<vmem>>
      %swap3A_558 = arith.constant 48 : index
      %swap3A_559 = tpu.vector_load %swap3A_557[%swap3A_558] {strides = array<i32>} : memref<64xf32, #tpu.memory_space<vmem>>, vector<16xf32>,
      tpu.vector_store %swap3A_557[%swap3A_558], %gather3A_554 {strides = array<i32>} : memref<64xf32, #tpu.memory_space<vmem>>, vector<16xf32>,
      %add3A_560 = arith.constant 2 : i32
      %add3A_561 = arith.addi %mul3A_307, %add3A_560 : i32
      %add3A_562 = arith.constant 6 : i32
      %add3A_563 = arith.addi %add3A_561, %add3A_562 : i32
      %lt3A_564 = arith.constant 512 : i32
      %lt3A_565 = arith.cmpi slt, %add3A_563, %lt3A_564 : i32
      %convert_element_type3A_566 = arith.extui %lt3A_565 : i1 to i32
      %cond3A_567 = arith.constant 0 : i32
      %cond3A_568 = arith.cmpi ne, %convert_element_type3A_566, %cond3A_567 : i32
      scf.if %cond3A_568 {
        %add3A_831 = arith.constant 2 : i32
        %add3A_832 = arith.addi %mul3A_307, %add3A_831 : i32
        %add3A_833 = arith.constant 6 : i32
        %add3A_834 = arith.addi %add3A_832, %add3A_833 : i32
        %get3A_835 = arith.index_cast %add3A_834 : i32 to index
        %get3A_836 = memref.load %arg8[%get3A_835] : memref<512xi32, #tpu.memory_space<smem>>
        %ne3A_837 = arith.constant 0 : i32
        %ne3A_838 = arith.cmpi ne, %get3A_836, %ne3A_837 : i32
        %get3A_839 = arith.index_cast %add3A_834 : i32 to index
        %get3A_840 = memref.load %arg7[%get3A_839] : memref<512xi32, #tpu.memory_space<smem>>
        %select_n3A_841 = arith.constant 1000000 : i32
        %select_n3A_842 = arith.select %ne3A_838, %select_n3A_841, %get3A_840 : i32
        %shift_right_arithmetic3A_843 = arith.constant 7 : i32
        %shift_right_arithmetic3A_844 = arith.shrsi %select_n3A_842, %shift_right_arithmetic3A_843 : i32
        %lt3A_845 = arith.constant 7812 : i32
        %lt3A_846 = arith.cmpi slt, %shift_right_arithmetic3A_844, %lt3A_845 : i32
        %convert_element_type3A_847 = arith.extui %lt3A_846 : i1 to i32
        %cond3A_848 = arith.constant 2 : i32
        %cond3A_849 = arith.constant 0 : i32
        %cond3A_850 = arith.cmpi ne, %convert_element_type3A_847, %cond3A_849 : i32
        scf.if %cond3A_850 {
          %mul3A_857 = arith.constant 128 : i32
          %mul3A_858 = arith.muli %shift_right_arithmetic3A_844, %mul3A_857 : i32
          %multiple_of3A = tpu.assume_multiple %mul3A_858, 128 : i32
          %dma_start3A = arith.constant 0 : i32
          %dma_start3A_859 = arith.constant 0 : i32
          %dma_start3A_860 = tpu.memref_slice %arg11[%cond3A_848, %dma_start3A, %dma_start3A_859] : memref<6x64x128xf32, #tpu.memory_space<vmem>> -> memref<1x64x128xf32, #tpu.memory_space<vmem>>
          %dma_start3A_861 = tpu.memref_squeeze %dma_start3A_860 : memref<1x64x128xf32, #tpu.memory_space<vmem>> -> memref<64x128xf32, #tpu.memory_space<vmem>>
          %dma_start3A_862 = arith.constant 0 : i32
          %dma_start3A_863 = tpu.memref_slice %arg4[%dma_start3A_862, %multiple_of3A] : memref<64x1000001xf32, #tpu.memory_space<hbm>> -> memref<64x128xf32, #tpu.memory_space<hbm>>
          %dma_start3A_864 = arith.constant 0 : i32
          %dma_start3A_865 = arith.constant 0 : i32
          %dma_start3A_866 = tpu.memref_slice %arg11[%cond3A_848, %dma_start3A_864, %dma_start3A_865] : memref<6x64x128xf32, #tpu.memory_space<vmem>> -> memref<1x64x128xf32, #tpu.memory_space<vmem>>
          %dma_start3A_867 = tpu.memref_squeeze %dma_start3A_866 : memref<1x64x128xf32, #tpu.memory_space<vmem>> -> memref<64x128xf32, #tpu.memory_space<vmem>>
          %dma_start3A_868 = arith.constant 0 : i32
          %dma_start3A_869 = tpu.memref_slice %arg4[%dma_start3A_868, %multiple_of3A] : memref<64x1000001xf32, #tpu.memory_space<hbm>> -> memref<64x128xf32, #tpu.memory_space<hbm>>
          tpu.enqueue_dma source(%dma_start3A_869 : memref<64x128xf32, #tpu.memory_space<hbm>>) target(%dma_start3A_867 : memref<64x128xf32, #tpu.memory_space<vmem>>) target_semaphore(%arg15 : memref<!tpu.dma_semaphore, #tpu.memory_space<semaphore_mem>>)
        } else {
        }
        %eq3A_851 = arith.constant 7812 : i32
        %eq3A_852 = arith.cmpi eq, %shift_right_arithmetic3A_844, %eq3A_851 : i32
        %convert_element_type3A_853 = arith.extui %eq3A_852 : i1 to i32
        %cond3A_854 = arith.constant 2 : i32
        %cond3A_855 = arith.constant 0 : i32
        %cond3A_856 = arith.cmpi ne, %convert_element_type3A_853, %cond3A_855 : i32
        scf.if %cond3A_856 {
          %dma_start3A = arith.constant 0 : i32
          %dma_start3A_857 = arith.constant 0 : i32
          %dma_start3A_858 = tpu.memref_slice %arg11[%cond3A_854, %dma_start3A, %dma_start3A_857] : memref<6x64x128xf32, #tpu.memory_space<vmem>> -> memref<1x64x128xf32, #tpu.memory_space<vmem>>
          %dma_start3A_859 = tpu.memref_squeeze %dma_start3A_858 : memref<1x64x128xf32, #tpu.memory_space<vmem>> -> memref<64x128xf32, #tpu.memory_space<vmem>>
          %dma_start3A_860 = arith.constant 0 : i32
          %dma_start3A_861 = arith.constant 0 : i32
          %dma_start3A_862 = tpu.memref_slice %arg11[%cond3A_854, %dma_start3A_860, %dma_start3A_861] : memref<6x64x128xf32, #tpu.memory_space<vmem>> -> memref<1x64x128xf32, #tpu.memory_space<vmem>>
          %dma_start3A_863 = tpu.memref_squeeze %dma_start3A_862 : memref<1x64x128xf32, #tpu.memory_space<vmem>> -> memref<64x128xf32, #tpu.memory_space<vmem>>
          tpu.enqueue_dma source(%arg5 : memref<64x128xf32, #tpu.memory_space<hbm>>) target(%dma_start3A_863 : memref<64x128xf32, #tpu.memory_space<vmem>>) target_semaphore(%arg15 : memref<!tpu.dma_semaphore, #tpu.memory_space<semaphore_mem>>)
        } else {
        }
      } else {
      }
      %dma_wait3A_569 = arith.constant 3 : i32
      %dma_wait3A_570 = arith.constant 0 : i32
      %dma_wait3A_571 = arith.constant 0 : i32
      %dma_wait3A_572 = tpu.memref_slice %arg11[%dma_wait3A_569, %dma_wait3A_570, %dma_wait3A_571] : memref<6x64x128xf32, #tpu.memory_space<vmem>> -> memref<1x64x128xf32, #tpu.memory_space<vmem>>
      %dma_wait3A_573 = tpu.memref_squeeze %dma_wait3A_572 : memref<1x64x128xf32, #tpu.memory_space<vmem>> -> memref<64x128xf32, #tpu.memory_space<vmem>>
      %dma_wait3A_574 = arith.constant 0 : i32
      %dma_wait3A_575 = arith.constant 0 : i32
      %dma_wait3A_576 = tpu.memref_slice %arg11[%dma_wait3A_569, %dma_wait3A_574, %dma_wait3A_575] : memref<6x64x128xf32, #tpu.memory_space<vmem>> -> memref<1x64x128xf32, #tpu.memory_space<vmem>>
      %dma_wait3A_577 = tpu.memref_squeeze %dma_wait3A_576 : memref<1x64x128xf32, #tpu.memory_space<vmem>> -> memref<64x128xf32, #tpu.memory_space<vmem>>
      tpu.wait_dma2 semaphore(%arg16 : memref<!tpu.dma_semaphore, #tpu.memory_space<semaphore_mem>>) src(%arg5 : memref<64x128xf32, #tpu.memory_space<hbm>>) dst(%dma_wait3A_577 : memref<64x128xf32, #tpu.memory_space<vmem>>)
      %add3A_578 = arith.constant 3 : i32
      %add3A_579 = arith.addi %mul3A_307, %add3A_578 : i32
      %get3A_580 = arith.index_cast %add3A_579 : i32 to index
      %get3A_581 = memref.load %arg8[%get3A_580] : memref<512xi32, #tpu.memory_space<smem>>
      %ne3A_582 = arith.constant 0 : i32
      %ne3A_583 = arith.cmpi ne, %get3A_581, %ne3A_582 : i32
      %get3A_584 = arith.index_cast %add3A_579 : i32 to index
      %get3A_585 = memref.load %arg7[%get3A_584] : memref<512xi32, #tpu.memory_space<smem>>
      %select_n3A_586 = arith.constant 1000000 : i32
      %select_n3A_587 = arith.select %ne3A_583, %select_n3A_586, %get3A_585 : i32
      %and3A_588 = arith.constant 127 : i32
      %and3A_589 = arith.andi %select_n3A_587, %and3A_588 : i32
      %broadcast_in_dim3A_590 = vector.broadcast %and3A_589 : i32 to vector<16xi32>
      %add3A_591 = arith.constant 0 : i32
      %add3A_592 = vector.broadcast %add3A_591 : i32 to vector<16xi32>
      %add3A_593 = arith.addi %iota3A, %add3A_592 : vector<16xi32>
      %gather3A_594 = arith.constant 3 : i32
      %gather3A_595 = arith.constant 0 : i32
      %gather3A_596 = arith.constant 0 : i32
      %gather3A_597 = tpu.memref_slice %arg11[%gather3A_594, %gather3A_595, %gather3A_596] : memref<6x64x128xf32, #tpu.memory_space<vmem>> -> memref<1x64x128xf32, #tpu.memory_space<vmem>>
      %gather3A_598 = tpu.memref_squeeze %gather3A_597 : memref<1x64x128xf32, #tpu.memory_space<vmem>> -> memref<64x128xf32, #tpu.memory_space<vmem>>
      %gather3A_599 = tpu.vector_load_idx %gather3A_598[%add3A_593, %broadcast_in_dim3A_590] : memref<64x128xf32, #tpu.memory_space<vmem>>[vector<16xi32>, vector<16xi32>], vector<16xf32>,
      %swap3A_600 = arith.constant 0 : i32
      %swap3A_601 = tpu.memref_slice %arg12[%add3A_579, %swap3A_600] : memref<512x64xf32, #tpu.memory_space<vmem>> -> memref<1x64xf32, #tpu.memory_space<vmem>>
      %swap3A_602 = tpu.memref_squeeze %swap3A_601 : memref<1x64xf32, #tpu.memory_space<vmem>> -> memref<64xf32, #tpu.memory_space<vmem>>
      %swap3A_603 = arith.constant 0 : index
      %swap3A_604 = tpu.vector_load %swap3A_602[%swap3A_603] {strides = array<i32>} : memref<64xf32, #tpu.memory_space<vmem>>, vector<16xf32>,
      tpu.vector_store %swap3A_602[%swap3A_603], %gather3A_599 {strides = array<i32>} : memref<64xf32, #tpu.memory_space<vmem>>, vector<16xf32>,
      %add3A_605 = arith.constant 16 : i32
      %add3A_606 = vector.broadcast %add3A_605 : i32 to vector<16xi32>
      %add3A_607 = arith.addi %iota3A, %add3A_606 : vector<16xi32>
      %gather3A_608 = arith.constant 3 : i32
      %gather3A_609 = arith.constant 0 : i32
      %gather3A_610 = arith.constant 0 : i32
      %gather3A_611 = tpu.memref_slice %arg11[%gather3A_608, %gather3A_609, %gather3A_610] : memref<6x64x128xf32, #tpu.memory_space<vmem>> -> memref<1x64x128xf32, #tpu.memory_space<vmem>>
      %gather3A_612 = tpu.memref_squeeze %gather3A_611 : memref<1x64x128xf32, #tpu.memory_space<vmem>> -> memref<64x128xf32, #tpu.memory_space<vmem>>
      %gather3A_613 = tpu.vector_load_idx %gather3A_612[%add3A_607, %broadcast_in_dim3A_590] : memref<64x128xf32, #tpu.memory_space<vmem>>[vector<16xi32>, vector<16xi32>], vector<16xf32>,
      %swap3A_614 = arith.constant 0 : i32
      %swap3A_615 = tpu.memref_slice %arg12[%add3A_579, %swap3A_614] : memref<512x64xf32, #tpu.memory_space<vmem>> -> memref<1x64xf32, #tpu.memory_space<vmem>>
      %swap3A_616 = tpu.memref_squeeze %swap3A_615 : memref<1x64xf32, #tpu.memory_space<vmem>> -> memref<64xf32, #tpu.memory_space<vmem>>
      %swap3A_617 = arith.constant 16 : index
      %swap3A_618 = tpu.vector_load %swap3A_616[%swap3A_617] {strides = array<i32>} : memref<64xf32, #tpu.memory_space<vmem>>, vector<16xf32>,
      tpu.vector_store %swap3A_616[%swap3A_617], %gather3A_613 {strides = array<i32>} : memref<64xf32, #tpu.memory_space<vmem>>, vector<16xf32>,
      %add3A_619 = arith.constant 32 : i32
      %add3A_620 = vector.broadcast %add3A_619 : i32 to vector<16xi32>
      %add3A_621 = arith.addi %iota3A, %add3A_620 : vector<16xi32>
      %gather3A_622 = arith.constant 3 : i32
      %gather3A_623 = arith.constant 0 : i32
      %gather3A_624 = arith.constant 0 : i32
      %gather3A_625 = tpu.memref_slice %arg11[%gather3A_622, %gather3A_623, %gather3A_624] : memref<6x64x128xf32, #tpu.memory_space<vmem>> -> memref<1x64x128xf32, #tpu.memory_space<vmem>>
      %gather3A_626 = tpu.memref_squeeze %gather3A_625 : memref<1x64x128xf32, #tpu.memory_space<vmem>> -> memref<64x128xf32, #tpu.memory_space<vmem>>
      %gather3A_627 = tpu.vector_load_idx %gather3A_626[%add3A_621, %broadcast_in_dim3A_590] : memref<64x128xf32, #tpu.memory_space<vmem>>[vector<16xi32>, vector<16xi32>], vector<16xf32>,
      %swap3A_628 = arith.constant 0 : i32
      %swap3A_629 = tpu.memref_slice %arg12[%add3A_579, %swap3A_628] : memref<512x64xf32, #tpu.memory_space<vmem>> -> memref<1x64xf32, #tpu.memory_space<vmem>>
      %swap3A_630 = tpu.memref_squeeze %swap3A_629 : memref<1x64xf32, #tpu.memory_space<vmem>> -> memref<64xf32, #tpu.memory_space<vmem>>
      %swap3A_631 = arith.constant 32 : index
      %swap3A_632 = tpu.vector_load %swap3A_630[%swap3A_631] {strides = array<i32>} : memref<64xf32, #tpu.memory_space<vmem>>, vector<16xf32>,
      tpu.vector_store %swap3A_630[%swap3A_631], %gather3A_627 {strides = array<i32>} : memref<64xf32, #tpu.memory_space<vmem>>, vector<16xf32>,
      %add3A_633 = arith.constant 48 : i32
      %add3A_634 = vector.broadcast %add3A_633 : i32 to vector<16xi32>
      %add3A_635 = arith.addi %iota3A, %add3A_634 : vector<16xi32>
      %gather3A_636 = arith.constant 3 : i32
      %gather3A_637 = arith.constant 0 : i32
      %gather3A_638 = arith.constant 0 : i32
      %gather3A_639 = tpu.memref_slice %arg11[%gather3A_636, %gather3A_637, %gather3A_638] : memref<6x64x128xf32, #tpu.memory_space<vmem>> -> memref<1x64x128xf32, #tpu.memory_space<vmem>>
      %gather3A_640 = tpu.memref_squeeze %gather3A_639 : memref<1x64x128xf32, #tpu.memory_space<vmem>> -> memref<64x128xf32, #tpu.memory_space<vmem>>
      %gather3A_641 = tpu.vector_load_idx %gather3A_640[%add3A_635, %broadcast_in_dim3A_590] : memref<64x128xf32, #tpu.memory_space<vmem>>[vector<16xi32>, vector<16xi32>], vector<16xf32>,
      %swap3A_642 = arith.constant 0 : i32
      %swap3A_643 = tpu.memref_slice %arg12[%add3A_579, %swap3A_642] : memref<512x64xf32, #tpu.memory_space<vmem>> -> memref<1x64xf32, #tpu.memory_space<vmem>>
      %swap3A_644 = tpu.memref_squeeze %swap3A_643 : memref<1x64xf32, #tpu.memory_space<vmem>> -> memref<64xf32, #tpu.memory_space<vmem>>
      %swap3A_645 = arith.constant 48 : index
      %swap3A_646 = tpu.vector_load %swap3A_644[%swap3A_645] {strides = array<i32>} : memref<64xf32, #tpu.memory_space<vmem>>, vector<16xf32>,
      tpu.vector_store %swap3A_644[%swap3A_645], %gather3A_641 {strides = array<i32>} : memref<64xf32, #tpu.memory_space<vmem>>, vector<16xf32>,
      %add3A_647 = arith.constant 3 : i32
      %add3A_648 = arith.addi %mul3A_307, %add3A_647 : i32
      %add3A_649 = arith.constant 6 : i32
      %add3A_650 = arith.addi %add3A_648, %add3A_649 : i32
      %lt3A_651 = arith.constant 512 : i32
      %lt3A_652 = arith.cmpi slt, %add3A_650, %lt3A_651 : i32
      %convert_element_type3A_653 = arith.extui %lt3A_652 : i1 to i32
      %cond3A_654 = arith.constant 0 : i32
      %cond3A_655 = arith.cmpi ne, %convert_element_type3A_653, %cond3A_654 : i32
      scf.if %cond3A_655 {
        %add3A_831 = arith.constant 3 : i32
        %add3A_832 = arith.addi %mul3A_307, %add3A_831 : i32
        %add3A_833 = arith.constant 6 : i32
        %add3A_834 = arith.addi %add3A_832, %add3A_833 : i32
        %get3A_835 = arith.index_cast %add3A_834 : i32 to index
        %get3A_836 = memref.load %arg8[%get3A_835] : memref<512xi32, #tpu.memory_space<smem>>
        %ne3A_837 = arith.constant 0 : i32
        %ne3A_838 = arith.cmpi ne, %get3A_836, %ne3A_837 : i32
        %get3A_839 = arith.index_cast %add3A_834 : i32 to index
        %get3A_840 = memref.load %arg7[%get3A_839] : memref<512xi32, #tpu.memory_space<smem>>
        %select_n3A_841 = arith.constant 1000000 : i32
        %select_n3A_842 = arith.select %ne3A_838, %select_n3A_841, %get3A_840 : i32
        %shift_right_arithmetic3A_843 = arith.constant 7 : i32
        %shift_right_arithmetic3A_844 = arith.shrsi %select_n3A_842, %shift_right_arithmetic3A_843 : i32
        %lt3A_845 = arith.constant 7812 : i32
        %lt3A_846 = arith.cmpi slt, %shift_right_arithmetic3A_844, %lt3A_845 : i32
        %convert_element_type3A_847 = arith.extui %lt3A_846 : i1 to i32
        %cond3A_848 = arith.constant 3 : i32
        %cond3A_849 = arith.constant 0 : i32
        %cond3A_850 = arith.cmpi ne, %convert_element_type3A_847, %cond3A_849 : i32
        scf.if %cond3A_850 {
          %mul3A_857 = arith.constant 128 : i32
          %mul3A_858 = arith.muli %shift_right_arithmetic3A_844, %mul3A_857 : i32
          %multiple_of3A = tpu.assume_multiple %mul3A_858, 128 : i32
          %dma_start3A = arith.constant 0 : i32
          %dma_start3A_859 = arith.constant 0 : i32
          %dma_start3A_860 = tpu.memref_slice %arg11[%cond3A_848, %dma_start3A, %dma_start3A_859] : memref<6x64x128xf32, #tpu.memory_space<vmem>> -> memref<1x64x128xf32, #tpu.memory_space<vmem>>
          %dma_start3A_861 = tpu.memref_squeeze %dma_start3A_860 : memref<1x64x128xf32, #tpu.memory_space<vmem>> -> memref<64x128xf32, #tpu.memory_space<vmem>>
          %dma_start3A_862 = arith.constant 0 : i32
          %dma_start3A_863 = tpu.memref_slice %arg4[%dma_start3A_862, %multiple_of3A] : memref<64x1000001xf32, #tpu.memory_space<hbm>> -> memref<64x128xf32, #tpu.memory_space<hbm>>
          %dma_start3A_864 = arith.constant 0 : i32
          %dma_start3A_865 = arith.constant 0 : i32
          %dma_start3A_866 = tpu.memref_slice %arg11[%cond3A_848, %dma_start3A_864, %dma_start3A_865] : memref<6x64x128xf32, #tpu.memory_space<vmem>> -> memref<1x64x128xf32, #tpu.memory_space<vmem>>
          %dma_start3A_867 = tpu.memref_squeeze %dma_start3A_866 : memref<1x64x128xf32, #tpu.memory_space<vmem>> -> memref<64x128xf32, #tpu.memory_space<vmem>>
          %dma_start3A_868 = arith.constant 0 : i32
          %dma_start3A_869 = tpu.memref_slice %arg4[%dma_start3A_868, %multiple_of3A] : memref<64x1000001xf32, #tpu.memory_space<hbm>> -> memref<64x128xf32, #tpu.memory_space<hbm>>
          tpu.enqueue_dma source(%dma_start3A_869 : memref<64x128xf32, #tpu.memory_space<hbm>>) target(%dma_start3A_867 : memref<64x128xf32, #tpu.memory_space<vmem>>) target_semaphore(%arg16 : memref<!tpu.dma_semaphore, #tpu.memory_space<semaphore_mem>>)
        } else {
        }
        %eq3A_851 = arith.constant 7812 : i32
        %eq3A_852 = arith.cmpi eq, %shift_right_arithmetic3A_844, %eq3A_851 : i32
        %convert_element_type3A_853 = arith.extui %eq3A_852 : i1 to i32
        %cond3A_854 = arith.constant 3 : i32
        %cond3A_855 = arith.constant 0 : i32
        %cond3A_856 = arith.cmpi ne, %convert_element_type3A_853, %cond3A_855 : i32
        scf.if %cond3A_856 {
          %dma_start3A = arith.constant 0 : i32
          %dma_start3A_857 = arith.constant 0 : i32
          %dma_start3A_858 = tpu.memref_slice %arg11[%cond3A_854, %dma_start3A, %dma_start3A_857] : memref<6x64x128xf32, #tpu.memory_space<vmem>> -> memref<1x64x128xf32, #tpu.memory_space<vmem>>
          %dma_start3A_859 = tpu.memref_squeeze %dma_start3A_858 : memref<1x64x128xf32, #tpu.memory_space<vmem>> -> memref<64x128xf32, #tpu.memory_space<vmem>>
          %dma_start3A_860 = arith.constant 0 : i32
          %dma_start3A_861 = arith.constant 0 : i32
          %dma_start3A_862 = tpu.memref_slice %arg11[%cond3A_854, %dma_start3A_860, %dma_start3A_861] : memref<6x64x128xf32, #tpu.memory_space<vmem>> -> memref<1x64x128xf32, #tpu.memory_space<vmem>>
          %dma_start3A_863 = tpu.memref_squeeze %dma_start3A_862 : memref<1x64x128xf32, #tpu.memory_space<vmem>> -> memref<64x128xf32, #tpu.memory_space<vmem>>
          tpu.enqueue_dma source(%arg5 : memref<64x128xf32, #tpu.memory_space<hbm>>) target(%dma_start3A_863 : memref<64x128xf32, #tpu.memory_space<vmem>>) target_semaphore(%arg16 : memref<!tpu.dma_semaphore, #tpu.memory_space<semaphore_mem>>)
        } else {
        }
      } else {
      }
      %dma_wait3A_656 = arith.constant 4 : i32
      %dma_wait3A_657 = arith.constant 0 : i32
      %dma_wait3A_658 = arith.constant 0 : i32
      %dma_wait3A_659 = tpu.memref_slice %arg11[%dma_wait3A_656, %dma_wait3A_657, %dma_wait3A_658] : memref<6x64x128xf32, #tpu.memory_space<vmem>> -> memref<1x64x128xf32, #tpu.memory_space<vmem>>
      %dma_wait3A_660 = tpu.memref_squeeze %dma_wait3A_659 : memref<1x64x128xf32, #tpu.memory_space<vmem>> -> memref<64x128xf32, #tpu.memory_space<vmem>>
      %dma_wait3A_661 = arith.constant 0 : i32
      %dma_wait3A_662 = arith.constant 0 : i32
      %dma_wait3A_663 = tpu.memref_slice %arg11[%dma_wait3A_656, %dma_wait3A_661, %dma_wait3A_662] : memref<6x64x128xf32, #tpu.memory_space<vmem>> -> memref<1x64x128xf32, #tpu.memory_space<vmem>>
      %dma_wait3A_664 = tpu.memref_squeeze %dma_wait3A_663 : memref<1x64x128xf32, #tpu.memory_space<vmem>> -> memref<64x128xf32, #tpu.memory_space<vmem>>
      tpu.wait_dma2 semaphore(%arg17 : memref<!tpu.dma_semaphore, #tpu.memory_space<semaphore_mem>>) src(%arg5 : memref<64x128xf32, #tpu.memory_space<hbm>>) dst(%dma_wait3A_664 : memref<64x128xf32, #tpu.memory_space<vmem>>)
      %add3A_665 = arith.constant 4 : i32
      %add3A_666 = arith.addi %mul3A_307, %add3A_665 : i32
      %get3A_667 = arith.index_cast %add3A_666 : i32 to index
      %get3A_668 = memref.load %arg8[%get3A_667] : memref<512xi32, #tpu.memory_space<smem>>
      %ne3A_669 = arith.constant 0 : i32
      %ne3A_670 = arith.cmpi ne, %get3A_668, %ne3A_669 : i32
      %get3A_671 = arith.index_cast %add3A_666 : i32 to index
      %get3A_672 = memref.load %arg7[%get3A_671] : memref<512xi32, #tpu.memory_space<smem>>
      %select_n3A_673 = arith.constant 1000000 : i32
      %select_n3A_674 = arith.select %ne3A_670, %select_n3A_673, %get3A_672 : i32
      %and3A_675 = arith.constant 127 : i32
      %and3A_676 = arith.andi %select_n3A_674, %and3A_675 : i32
      %broadcast_in_dim3A_677 = vector.broadcast %and3A_676 : i32 to vector<16xi32>
      %add3A_678 = arith.constant 0 : i32
      %add3A_679 = vector.broadcast %add3A_678 : i32 to vector<16xi32>
      %add3A_680 = arith.addi %iota3A, %add3A_679 : vector<16xi32>
      %gather3A_681 = arith.constant 4 : i32
      %gather3A_682 = arith.constant 0 : i32
      %gather3A_683 = arith.constant 0 : i32
      %gather3A_684 = tpu.memref_slice %arg11[%gather3A_681, %gather3A_682, %gather3A_683] : memref<6x64x128xf32, #tpu.memory_space<vmem>> -> memref<1x64x128xf32, #tpu.memory_space<vmem>>
      %gather3A_685 = tpu.memref_squeeze %gather3A_684 : memref<1x64x128xf32, #tpu.memory_space<vmem>> -> memref<64x128xf32, #tpu.memory_space<vmem>>
      %gather3A_686 = tpu.vector_load_idx %gather3A_685[%add3A_680, %broadcast_in_dim3A_677] : memref<64x128xf32, #tpu.memory_space<vmem>>[vector<16xi32>, vector<16xi32>], vector<16xf32>,
      %swap3A_687 = arith.constant 0 : i32
      %swap3A_688 = tpu.memref_slice %arg12[%add3A_666, %swap3A_687] : memref<512x64xf32, #tpu.memory_space<vmem>> -> memref<1x64xf32, #tpu.memory_space<vmem>>
      %swap3A_689 = tpu.memref_squeeze %swap3A_688 : memref<1x64xf32, #tpu.memory_space<vmem>> -> memref<64xf32, #tpu.memory_space<vmem>>
      %swap3A_690 = arith.constant 0 : index
      %swap3A_691 = tpu.vector_load %swap3A_689[%swap3A_690] {strides = array<i32>} : memref<64xf32, #tpu.memory_space<vmem>>, vector<16xf32>,
      tpu.vector_store %swap3A_689[%swap3A_690], %gather3A_686 {strides = array<i32>} : memref<64xf32, #tpu.memory_space<vmem>>, vector<16xf32>,
      %add3A_692 = arith.constant 16 : i32
      %add3A_693 = vector.broadcast %add3A_692 : i32 to vector<16xi32>
      %add3A_694 = arith.addi %iota3A, %add3A_693 : vector<16xi32>
      %gather3A_695 = arith.constant 4 : i32
      %gather3A_696 = arith.constant 0 : i32
      %gather3A_697 = arith.constant 0 : i32
      %gather3A_698 = tpu.memref_slice %arg11[%gather3A_695, %gather3A_696, %gather3A_697] : memref<6x64x128xf32, #tpu.memory_space<vmem>> -> memref<1x64x128xf32, #tpu.memory_space<vmem>>
      %gather3A_699 = tpu.memref_squeeze %gather3A_698 : memref<1x64x128xf32, #tpu.memory_space<vmem>> -> memref<64x128xf32, #tpu.memory_space<vmem>>
      %gather3A_700 = tpu.vector_load_idx %gather3A_699[%add3A_694, %broadcast_in_dim3A_677] : memref<64x128xf32, #tpu.memory_space<vmem>>[vector<16xi32>, vector<16xi32>], vector<16xf32>,
      %swap3A_701 = arith.constant 0 : i32
      %swap3A_702 = tpu.memref_slice %arg12[%add3A_666, %swap3A_701] : memref<512x64xf32, #tpu.memory_space<vmem>> -> memref<1x64xf32, #tpu.memory_space<vmem>>
      %swap3A_703 = tpu.memref_squeeze %swap3A_702 : memref<1x64xf32, #tpu.memory_space<vmem>> -> memref<64xf32, #tpu.memory_space<vmem>>
      %swap3A_704 = arith.constant 16 : index
      %swap3A_705 = tpu.vector_load %swap3A_703[%swap3A_704] {strides = array<i32>} : memref<64xf32, #tpu.memory_space<vmem>>, vector<16xf32>,
      tpu.vector_store %swap3A_703[%swap3A_704], %gather3A_700 {strides = array<i32>} : memref<64xf32, #tpu.memory_space<vmem>>, vector<16xf32>,
      %add3A_706 = arith.constant 32 : i32
      %add3A_707 = vector.broadcast %add3A_706 : i32 to vector<16xi32>
      %add3A_708 = arith.addi %iota3A, %add3A_707 : vector<16xi32>
      %gather3A_709 = arith.constant 4 : i32
      %gather3A_710 = arith.constant 0 : i32
      %gather3A_711 = arith.constant 0 : i32
      %gather3A_712 = tpu.memref_slice %arg11[%gather3A_709, %gather3A_710, %gather3A_711] : memref<6x64x128xf32, #tpu.memory_space<vmem>> -> memref<1x64x128xf32, #tpu.memory_space<vmem>>
      %gather3A_713 = tpu.memref_squeeze %gather3A_712 : memref<1x64x128xf32, #tpu.memory_space<vmem>> -> memref<64x128xf32, #tpu.memory_space<vmem>>
      %gather3A_714 = tpu.vector_load_idx %gather3A_713[%add3A_708, %broadcast_in_dim3A_677] : memref<64x128xf32, #tpu.memory_space<vmem>>[vector<16xi32>, vector<16xi32>], vector<16xf32>,
      %swap3A_715 = arith.constant 0 : i32
      %swap3A_716 = tpu.memref_slice %arg12[%add3A_666, %swap3A_715] : memref<512x64xf32, #tpu.memory_space<vmem>> -> memref<1x64xf32, #tpu.memory_space<vmem>>
      %swap3A_717 = tpu.memref_squeeze %swap3A_716 : memref<1x64xf32, #tpu.memory_space<vmem>> -> memref<64xf32, #tpu.memory_space<vmem>>
      %swap3A_718 = arith.constant 32 : index
      %swap3A_719 = tpu.vector_load %swap3A_717[%swap3A_718] {strides = array<i32>} : memref<64xf32, #tpu.memory_space<vmem>>, vector<16xf32>,
      tpu.vector_store %swap3A_717[%swap3A_718], %gather3A_714 {strides = array<i32>} : memref<64xf32, #tpu.memory_space<vmem>>, vector<16xf32>,
      %add3A_720 = arith.constant 48 : i32
      %add3A_721 = vector.broadcast %add3A_720 : i32 to vector<16xi32>
      %add3A_722 = arith.addi %iota3A, %add3A_721 : vector<16xi32>
      %gather3A_723 = arith.constant 4 : i32
      %gather3A_724 = arith.constant 0 : i32
      %gather3A_725 = arith.constant 0 : i32
      %gather3A_726 = tpu.memref_slice %arg11[%gather3A_723, %gather3A_724, %gather3A_725] : memref<6x64x128xf32, #tpu.memory_space<vmem>> -> memref<1x64x128xf32, #tpu.memory_space<vmem>>
      %gather3A_727 = tpu.memref_squeeze %gather3A_726 : memref<1x64x128xf32, #tpu.memory_space<vmem>> -> memref<64x128xf32, #tpu.memory_space<vmem>>
      %gather3A_728 = tpu.vector_load_idx %gather3A_727[%add3A_722, %broadcast_in_dim3A_677] : memref<64x128xf32, #tpu.memory_space<vmem>>[vector<16xi32>, vector<16xi32>], vector<16xf32>,
      %swap3A_729 = arith.constant 0 : i32
      %swap3A_730 = tpu.memref_slice %arg12[%add3A_666, %swap3A_729] : memref<512x64xf32, #tpu.memory_space<vmem>> -> memref<1x64xf32, #tpu.memory_space<vmem>>
      %swap3A_731 = tpu.memref_squeeze %swap3A_730 : memref<1x64xf32, #tpu.memory_space<vmem>> -> memref<64xf32, #tpu.memory_space<vmem>>
      %swap3A_732 = arith.constant 48 : index
      %swap3A_733 = tpu.vector_load %swap3A_731[%swap3A_732] {strides = array<i32>} : memref<64xf32, #tpu.memory_space<vmem>>, vector<16xf32>,
      tpu.vector_store %swap3A_731[%swap3A_732], %gather3A_728 {strides = array<i32>} : memref<64xf32, #tpu.memory_space<vmem>>, vector<16xf32>,
      %add3A_734 = arith.constant 4 : i32
      %add3A_735 = arith.addi %mul3A_307, %add3A_734 : i32
      %add3A_736 = arith.constant 6 : i32
      %add3A_737 = arith.addi %add3A_735, %add3A_736 : i32
      %lt3A_738 = arith.constant 512 : i32
      %lt3A_739 = arith.cmpi slt, %add3A_737, %lt3A_738 : i32
      %convert_element_type3A_740 = arith.extui %lt3A_739 : i1 to i32
      %cond3A_741 = arith.constant 0 : i32
      %cond3A_742 = arith.cmpi ne, %convert_element_type3A_740, %cond3A_741 : i32
      scf.if %cond3A_742 {
        %add3A_831 = arith.constant 4 : i32
        %add3A_832 = arith.addi %mul3A_307, %add3A_831 : i32
        %add3A_833 = arith.constant 6 : i32
        %add3A_834 = arith.addi %add3A_832, %add3A_833 : i32
        %get3A_835 = arith.index_cast %add3A_834 : i32 to index
        %get3A_836 = memref.load %arg8[%get3A_835] : memref<512xi32, #tpu.memory_space<smem>>
        %ne3A_837 = arith.constant 0 : i32
        %ne3A_838 = arith.cmpi ne, %get3A_836, %ne3A_837 : i32
        %get3A_839 = arith.index_cast %add3A_834 : i32 to index
        %get3A_840 = memref.load %arg7[%get3A_839] : memref<512xi32, #tpu.memory_space<smem>>
        %select_n3A_841 = arith.constant 1000000 : i32
        %select_n3A_842 = arith.select %ne3A_838, %select_n3A_841, %get3A_840 : i32
        %shift_right_arithmetic3A_843 = arith.constant 7 : i32
        %shift_right_arithmetic3A_844 = arith.shrsi %select_n3A_842, %shift_right_arithmetic3A_843 : i32
        %lt3A_845 = arith.constant 7812 : i32
        %lt3A_846 = arith.cmpi slt, %shift_right_arithmetic3A_844, %lt3A_845 : i32
        %convert_element_type3A_847 = arith.extui %lt3A_846 : i1 to i32
        %cond3A_848 = arith.constant 4 : i32
        %cond3A_849 = arith.constant 0 : i32
        %cond3A_850 = arith.cmpi ne, %convert_element_type3A_847, %cond3A_849 : i32
        scf.if %cond3A_850 {
          %mul3A_857 = arith.constant 128 : i32
          %mul3A_858 = arith.muli %shift_right_arithmetic3A_844, %mul3A_857 : i32
          %multiple_of3A = tpu.assume_multiple %mul3A_858, 128 : i32
          %dma_start3A = arith.constant 0 : i32
          %dma_start3A_859 = arith.constant 0 : i32
          %dma_start3A_860 = tpu.memref_slice %arg11[%cond3A_848, %dma_start3A, %dma_start3A_859] : memref<6x64x128xf32, #tpu.memory_space<vmem>> -> memref<1x64x128xf32, #tpu.memory_space<vmem>>
          %dma_start3A_861 = tpu.memref_squeeze %dma_start3A_860 : memref<1x64x128xf32, #tpu.memory_space<vmem>> -> memref<64x128xf32, #tpu.memory_space<vmem>>
          %dma_start3A_862 = arith.constant 0 : i32
          %dma_start3A_863 = tpu.memref_slice %arg4[%dma_start3A_862, %multiple_of3A] : memref<64x1000001xf32, #tpu.memory_space<hbm>> -> memref<64x128xf32, #tpu.memory_space<hbm>>
          %dma_start3A_864 = arith.constant 0 : i32
          %dma_start3A_865 = arith.constant 0 : i32
          %dma_start3A_866 = tpu.memref_slice %arg11[%cond3A_848, %dma_start3A_864, %dma_start3A_865] : memref<6x64x128xf32, #tpu.memory_space<vmem>> -> memref<1x64x128xf32, #tpu.memory_space<vmem>>
          %dma_start3A_867 = tpu.memref_squeeze %dma_start3A_866 : memref<1x64x128xf32, #tpu.memory_space<vmem>> -> memref<64x128xf32, #tpu.memory_space<vmem>>
          %dma_start3A_868 = arith.constant 0 : i32
          %dma_start3A_869 = tpu.memref_slice %arg4[%dma_start3A_868, %multiple_of3A] : memref<64x1000001xf32, #tpu.memory_space<hbm>> -> memref<64x128xf32, #tpu.memory_space<hbm>>
          tpu.enqueue_dma source(%dma_start3A_869 : memref<64x128xf32, #tpu.memory_space<hbm>>) target(%dma_start3A_867 : memref<64x128xf32, #tpu.memory_space<vmem>>) target_semaphore(%arg17 : memref<!tpu.dma_semaphore, #tpu.memory_space<semaphore_mem>>)
        } else {
        }
        %eq3A_851 = arith.constant 7812 : i32
        %eq3A_852 = arith.cmpi eq, %shift_right_arithmetic3A_844, %eq3A_851 : i32
        %convert_element_type3A_853 = arith.extui %eq3A_852 : i1 to i32
        %cond3A_854 = arith.constant 4 : i32
        %cond3A_855 = arith.constant 0 : i32
        %cond3A_856 = arith.cmpi ne, %convert_element_type3A_853, %cond3A_855 : i32
        scf.if %cond3A_856 {
          %dma_start3A = arith.constant 0 : i32
          %dma_start3A_857 = arith.constant 0 : i32
          %dma_start3A_858 = tpu.memref_slice %arg11[%cond3A_854, %dma_start3A, %dma_start3A_857] : memref<6x64x128xf32, #tpu.memory_space<vmem>> -> memref<1x64x128xf32, #tpu.memory_space<vmem>>
          %dma_start3A_859 = tpu.memref_squeeze %dma_start3A_858 : memref<1x64x128xf32, #tpu.memory_space<vmem>> -> memref<64x128xf32, #tpu.memory_space<vmem>>
          %dma_start3A_860 = arith.constant 0 : i32
          %dma_start3A_861 = arith.constant 0 : i32
          %dma_start3A_862 = tpu.memref_slice %arg11[%cond3A_854, %dma_start3A_860, %dma_start3A_861] : memref<6x64x128xf32, #tpu.memory_space<vmem>> -> memref<1x64x128xf32, #tpu.memory_space<vmem>>
          %dma_start3A_863 = tpu.memref_squeeze %dma_start3A_862 : memref<1x64x128xf32, #tpu.memory_space<vmem>> -> memref<64x128xf32, #tpu.memory_space<vmem>>
          tpu.enqueue_dma source(%arg5 : memref<64x128xf32, #tpu.memory_space<hbm>>) target(%dma_start3A_863 : memref<64x128xf32, #tpu.memory_space<vmem>>) target_semaphore(%arg17 : memref<!tpu.dma_semaphore, #tpu.memory_space<semaphore_mem>>)
        } else {
        }
      } else {
      }
      %dma_wait3A_743 = arith.constant 5 : i32
      %dma_wait3A_744 = arith.constant 0 : i32
      %dma_wait3A_745 = arith.constant 0 : i32
      %dma_wait3A_746 = tpu.memref_slice %arg11[%dma_wait3A_743, %dma_wait3A_744, %dma_wait3A_745] : memref<6x64x128xf32, #tpu.memory_space<vmem>> -> memref<1x64x128xf32, #tpu.memory_space<vmem>>
      %dma_wait3A_747 = tpu.memref_squeeze %dma_wait3A_746 : memref<1x64x128xf32, #tpu.memory_space<vmem>> -> memref<64x128xf32, #tpu.memory_space<vmem>>
      %dma_wait3A_748 = arith.constant 0 : i32
      %dma_wait3A_749 = arith.constant 0 : i32
      %dma_wait3A_750 = tpu.memref_slice %arg11[%dma_wait3A_743, %dma_wait3A_748, %dma_wait3A_749] : memref<6x64x128xf32, #tpu.memory_space<vmem>> -> memref<1x64x128xf32, #tpu.memory_space<vmem>>
      %dma_wait3A_751 = tpu.memref_squeeze %dma_wait3A_750 : memref<1x64x128xf32, #tpu.memory_space<vmem>> -> memref<64x128xf32, #tpu.memory_space<vmem>>
      tpu.wait_dma2 semaphore(%arg18 : memref<!tpu.dma_semaphore, #tpu.memory_space<semaphore_mem>>) src(%arg5 : memref<64x128xf32, #tpu.memory_space<hbm>>) dst(%dma_wait3A_751 : memref<64x128xf32, #tpu.memory_space<vmem>>)
      %add3A_752 = arith.constant 5 : i32
      %add3A_753 = arith.addi %mul3A_307, %add3A_752 : i32
      %get3A_754 = arith.index_cast %add3A_753 : i32 to index
      %get3A_755 = memref.load %arg8[%get3A_754] : memref<512xi32, #tpu.memory_space<smem>>
      %ne3A_756 = arith.constant 0 : i32
      %ne3A_757 = arith.cmpi ne, %get3A_755, %ne3A_756 : i32
      %get3A_758 = arith.index_cast %add3A_753 : i32 to index
      %get3A_759 = memref.load %arg7[%get3A_758] : memref<512xi32, #tpu.memory_space<smem>>
      %select_n3A_760 = arith.constant 1000000 : i32
      %select_n3A_761 = arith.select %ne3A_757, %select_n3A_760, %get3A_759 : i32
      %and3A_762 = arith.constant 127 : i32
      %and3A_763 = arith.andi %select_n3A_761, %and3A_762 : i32
      %broadcast_in_dim3A_764 = vector.broadcast %and3A_763 : i32 to vector<16xi32>
      %add3A_765 = arith.constant 0 : i32
      %add3A_766 = vector.broadcast %add3A_765 : i32 to vector<16xi32>
      %add3A_767 = arith.addi %iota3A, %add3A_766 : vector<16xi32>
      %gather3A_768 = arith.constant 5 : i32
      %gather3A_769 = arith.constant 0 : i32
      %gather3A_770 = arith.constant 0 : i32
      %gather3A_771 = tpu.memref_slice %arg11[%gather3A_768, %gather3A_769, %gather3A_770] : memref<6x64x128xf32, #tpu.memory_space<vmem>> -> memref<1x64x128xf32, #tpu.memory_space<vmem>>
      %gather3A_772 = tpu.memref_squeeze %gather3A_771 : memref<1x64x128xf32, #tpu.memory_space<vmem>> -> memref<64x128xf32, #tpu.memory_space<vmem>>
      %gather3A_773 = tpu.vector_load_idx %gather3A_772[%add3A_767, %broadcast_in_dim3A_764] : memref<64x128xf32, #tpu.memory_space<vmem>>[vector<16xi32>, vector<16xi32>], vector<16xf32>,
      %swap3A_774 = arith.constant 0 : i32
      %swap3A_775 = tpu.memref_slice %arg12[%add3A_753, %swap3A_774] : memref<512x64xf32, #tpu.memory_space<vmem>> -> memref<1x64xf32, #tpu.memory_space<vmem>>
      %swap3A_776 = tpu.memref_squeeze %swap3A_775 : memref<1x64xf32, #tpu.memory_space<vmem>> -> memref<64xf32, #tpu.memory_space<vmem>>
      %swap3A_777 = arith.constant 0 : index
      %swap3A_778 = tpu.vector_load %swap3A_776[%swap3A_777] {strides = array<i32>} : memref<64xf32, #tpu.memory_space<vmem>>, vector<16xf32>,
      tpu.vector_store %swap3A_776[%swap3A_777], %gather3A_773 {strides = array<i32>} : memref<64xf32, #tpu.memory_space<vmem>>, vector<16xf32>,
      %add3A_779 = arith.constant 16 : i32
      %add3A_780 = vector.broadcast %add3A_779 : i32 to vector<16xi32>
      %add3A_781 = arith.addi %iota3A, %add3A_780 : vector<16xi32>
      %gather3A_782 = arith.constant 5 : i32
      %gather3A_783 = arith.constant 0 : i32
      %gather3A_784 = arith.constant 0 : i32
      %gather3A_785 = tpu.memref_slice %arg11[%gather3A_782, %gather3A_783, %gather3A_784] : memref<6x64x128xf32, #tpu.memory_space<vmem>> -> memref<1x64x128xf32, #tpu.memory_space<vmem>>
      %gather3A_786 = tpu.memref_squeeze %gather3A_785 : memref<1x64x128xf32, #tpu.memory_space<vmem>> -> memref<64x128xf32, #tpu.memory_space<vmem>>
      %gather3A_787 = tpu.vector_load_idx %gather3A_786[%add3A_781, %broadcast_in_dim3A_764] : memref<64x128xf32, #tpu.memory_space<vmem>>[vector<16xi32>, vector<16xi32>], vector<16xf32>,
      %swap3A_788 = arith.constant 0 : i32
      %swap3A_789 = tpu.memref_slice %arg12[%add3A_753, %swap3A_788] : memref<512x64xf32, #tpu.memory_space<vmem>> -> memref<1x64xf32, #tpu.memory_space<vmem>>
      %swap3A_790 = tpu.memref_squeeze %swap3A_789 : memref<1x64xf32, #tpu.memory_space<vmem>> -> memref<64xf32, #tpu.memory_space<vmem>>
      %swap3A_791 = arith.constant 16 : index
      %swap3A_792 = tpu.vector_load %swap3A_790[%swap3A_791] {strides = array<i32>} : memref<64xf32, #tpu.memory_space<vmem>>, vector<16xf32>,
      tpu.vector_store %swap3A_790[%swap3A_791], %gather3A_787 {strides = array<i32>} : memref<64xf32, #tpu.memory_space<vmem>>, vector<16xf32>,
      %add3A_793 = arith.constant 32 : i32
      %add3A_794 = vector.broadcast %add3A_793 : i32 to vector<16xi32>
      %add3A_795 = arith.addi %iota3A, %add3A_794 : vector<16xi32>
      %gather3A_796 = arith.constant 5 : i32
      %gather3A_797 = arith.constant 0 : i32
      %gather3A_798 = arith.constant 0 : i32
      %gather3A_799 = tpu.memref_slice %arg11[%gather3A_796, %gather3A_797, %gather3A_798] : memref<6x64x128xf32, #tpu.memory_space<vmem>> -> memref<1x64x128xf32, #tpu.memory_space<vmem>>
      %gather3A_800 = tpu.memref_squeeze %gather3A_799 : memref<1x64x128xf32, #tpu.memory_space<vmem>> -> memref<64x128xf32, #tpu.memory_space<vmem>>
      %gather3A_801 = tpu.vector_load_idx %gather3A_800[%add3A_795, %broadcast_in_dim3A_764] : memref<64x128xf32, #tpu.memory_space<vmem>>[vector<16xi32>, vector<16xi32>], vector<16xf32>,
      %swap3A_802 = arith.constant 0 : i32
      %swap3A_803 = tpu.memref_slice %arg12[%add3A_753, %swap3A_802] : memref<512x64xf32, #tpu.memory_space<vmem>> -> memref<1x64xf32, #tpu.memory_space<vmem>>
      %swap3A_804 = tpu.memref_squeeze %swap3A_803 : memref<1x64xf32, #tpu.memory_space<vmem>> -> memref<64xf32, #tpu.memory_space<vmem>>
      %swap3A_805 = arith.constant 32 : index
      %swap3A_806 = tpu.vector_load %swap3A_804[%swap3A_805] {strides = array<i32>} : memref<64xf32, #tpu.memory_space<vmem>>, vector<16xf32>,
      tpu.vector_store %swap3A_804[%swap3A_805], %gather3A_801 {strides = array<i32>} : memref<64xf32, #tpu.memory_space<vmem>>, vector<16xf32>,
      %add3A_807 = arith.constant 48 : i32
      %add3A_808 = vector.broadcast %add3A_807 : i32 to vector<16xi32>
      %add3A_809 = arith.addi %iota3A, %add3A_808 : vector<16xi32>
      %gather3A_810 = arith.constant 5 : i32
      %gather3A_811 = arith.constant 0 : i32
      %gather3A_812 = arith.constant 0 : i32
      %gather3A_813 = tpu.memref_slice %arg11[%gather3A_810, %gather3A_811, %gather3A_812] : memref<6x64x128xf32, #tpu.memory_space<vmem>> -> memref<1x64x128xf32, #tpu.memory_space<vmem>>
      %gather3A_814 = tpu.memref_squeeze %gather3A_813 : memref<1x64x128xf32, #tpu.memory_space<vmem>> -> memref<64x128xf32, #tpu.memory_space<vmem>>
      %gather3A_815 = tpu.vector_load_idx %gather3A_814[%add3A_809, %broadcast_in_dim3A_764] : memref<64x128xf32, #tpu.memory_space<vmem>>[vector<16xi32>, vector<16xi32>], vector<16xf32>,
      %swap3A_816 = arith.constant 0 : i32
      %swap3A_817 = tpu.memref_slice %arg12[%add3A_753, %swap3A_816] : memref<512x64xf32, #tpu.memory_space<vmem>> -> memref<1x64xf32, #tpu.memory_space<vmem>>
      %swap3A_818 = tpu.memref_squeeze %swap3A_817 : memref<1x64xf32, #tpu.memory_space<vmem>> -> memref<64xf32, #tpu.memory_space<vmem>>
      %swap3A_819 = arith.constant 48 : index
      %swap3A_820 = tpu.vector_load %swap3A_818[%swap3A_819] {strides = array<i32>} : memref<64xf32, #tpu.memory_space<vmem>>, vector<16xf32>,
      tpu.vector_store %swap3A_818[%swap3A_819], %gather3A_815 {strides = array<i32>} : memref<64xf32, #tpu.memory_space<vmem>>, vector<16xf32>,
      %add3A_821 = arith.constant 5 : i32
      %add3A_822 = arith.addi %mul3A_307, %add3A_821 : i32
      %add3A_823 = arith.constant 6 : i32
      %add3A_824 = arith.addi %add3A_822, %add3A_823 : i32
      %lt3A_825 = arith.constant 512 : i32
      %lt3A_826 = arith.cmpi slt, %add3A_824, %lt3A_825 : i32
      %convert_element_type3A_827 = arith.extui %lt3A_826 : i1 to i32
      %cond3A_828 = arith.constant 0 : i32
      %cond3A_829 = arith.cmpi ne, %convert_element_type3A_827, %cond3A_828 : i32
      scf.if %cond3A_829 {
        %add3A_831 = arith.constant 5 : i32
        %add3A_832 = arith.addi %mul3A_307, %add3A_831 : i32
        %add3A_833 = arith.constant 6 : i32
        %add3A_834 = arith.addi %add3A_832, %add3A_833 : i32
        %get3A_835 = arith.index_cast %add3A_834 : i32 to index
        %get3A_836 = memref.load %arg8[%get3A_835] : memref<512xi32, #tpu.memory_space<smem>>
        %ne3A_837 = arith.constant 0 : i32
        %ne3A_838 = arith.cmpi ne, %get3A_836, %ne3A_837 : i32
        %get3A_839 = arith.index_cast %add3A_834 : i32 to index
        %get3A_840 = memref.load %arg7[%get3A_839] : memref<512xi32, #tpu.memory_space<smem>>
        %select_n3A_841 = arith.constant 1000000 : i32
        %select_n3A_842 = arith.select %ne3A_838, %select_n3A_841, %get3A_840 : i32
        %shift_right_arithmetic3A_843 = arith.constant 7 : i32
        %shift_right_arithmetic3A_844 = arith.shrsi %select_n3A_842, %shift_right_arithmetic3A_843 : i32
        %lt3A_845 = arith.constant 7812 : i32
        %lt3A_846 = arith.cmpi slt, %shift_right_arithmetic3A_844, %lt3A_845 : i32
        %convert_element_type3A_847 = arith.extui %lt3A_846 : i1 to i32
        %cond3A_848 = arith.constant 5 : i32
        %cond3A_849 = arith.constant 0 : i32
        %cond3A_850 = arith.cmpi ne, %convert_element_type3A_847, %cond3A_849 : i32
        scf.if %cond3A_850 {
          %mul3A_857 = arith.constant 128 : i32
          %mul3A_858 = arith.muli %shift_right_arithmetic3A_844, %mul3A_857 : i32
          %multiple_of3A = tpu.assume_multiple %mul3A_858, 128 : i32
          %dma_start3A = arith.constant 0 : i32
          %dma_start3A_859 = arith.constant 0 : i32
          %dma_start3A_860 = tpu.memref_slice %arg11[%cond3A_848, %dma_start3A, %dma_start3A_859] : memref<6x64x128xf32, #tpu.memory_space<vmem>> -> memref<1x64x128xf32, #tpu.memory_space<vmem>>
          %dma_start3A_861 = tpu.memref_squeeze %dma_start3A_860 : memref<1x64x128xf32, #tpu.memory_space<vmem>> -> memref<64x128xf32, #tpu.memory_space<vmem>>
          %dma_start3A_862 = arith.constant 0 : i32
          %dma_start3A_863 = tpu.memref_slice %arg4[%dma_start3A_862, %multiple_of3A] : memref<64x1000001xf32, #tpu.memory_space<hbm>> -> memref<64x128xf32, #tpu.memory_space<hbm>>
          %dma_start3A_864 = arith.constant 0 : i32
          %dma_start3A_865 = arith.constant 0 : i32
          %dma_start3A_866 = tpu.memref_slice %arg11[%cond3A_848, %dma_start3A_864, %dma_start3A_865] : memref<6x64x128xf32, #tpu.memory_space<vmem>> -> memref<1x64x128xf32, #tpu.memory_space<vmem>>
          %dma_start3A_867 = tpu.memref_squeeze %dma_start3A_866 : memref<1x64x128xf32, #tpu.memory_space<vmem>> -> memref<64x128xf32, #tpu.memory_space<vmem>>
          %dma_start3A_868 = arith.constant 0 : i32
          %dma_start3A_869 = tpu.memref_slice %arg4[%dma_start3A_868, %multiple_of3A] : memref<64x1000001xf32, #tpu.memory_space<hbm>> -> memref<64x128xf32, #tpu.memory_space<hbm>>
          tpu.enqueue_dma source(%dma_start3A_869 : memref<64x128xf32, #tpu.memory_space<hbm>>) target(%dma_start3A_867 : memref<64x128xf32, #tpu.memory_space<vmem>>) target_semaphore(%arg18 : memref<!tpu.dma_semaphore, #tpu.memory_space<semaphore_mem>>)
        } else {
        }
        %eq3A_851 = arith.constant 7812 : i32
        %eq3A_852 = arith.cmpi eq, %shift_right_arithmetic3A_844, %eq3A_851 : i32
        %convert_element_type3A_853 = arith.extui %eq3A_852 : i1 to i32
        %cond3A_854 = arith.constant 5 : i32
        %cond3A_855 = arith.constant 0 : i32
        %cond3A_856 = arith.cmpi ne, %convert_element_type3A_853, %cond3A_855 : i32
        scf.if %cond3A_856 {
          %dma_start3A = arith.constant 0 : i32
          %dma_start3A_857 = arith.constant 0 : i32
          %dma_start3A_858 = tpu.memref_slice %arg11[%cond3A_854, %dma_start3A, %dma_start3A_857] : memref<6x64x128xf32, #tpu.memory_space<vmem>> -> memref<1x64x128xf32, #tpu.memory_space<vmem>>
          %dma_start3A_859 = tpu.memref_squeeze %dma_start3A_858 : memref<1x64x128xf32, #tpu.memory_space<vmem>> -> memref<64x128xf32, #tpu.memory_space<vmem>>
          %dma_start3A_860 = arith.constant 0 : i32
          %dma_start3A_861 = arith.constant 0 : i32
          %dma_start3A_862 = tpu.memref_slice %arg11[%cond3A_854, %dma_start3A_860, %dma_start3A_861] : memref<6x64x128xf32, #tpu.memory_space<vmem>> -> memref<1x64x128xf32, #tpu.memory_space<vmem>>
          %dma_start3A_863 = tpu.memref_squeeze %dma_start3A_862 : memref<1x64x128xf32, #tpu.memory_space<vmem>> -> memref<64x128xf32, #tpu.memory_space<vmem>>
          tpu.enqueue_dma source(%arg5 : memref<64x128xf32, #tpu.memory_space<hbm>>) target(%dma_start3A_863 : memref<64x128xf32, #tpu.memory_space<vmem>>) target_semaphore(%arg18 : memref<!tpu.dma_semaphore, #tpu.memory_space<semaphore_mem>>)
        } else {
        }
      } else {
      }
      %scan3A_830 = arith.constant 0 : i32
      scf.yield %scan3A_830 : i32
    }
    %scan3A_144 = arith.constant 85 : i32
    %dma_wait3A = arith.constant 0 : i32
    %dma_wait3A_145 = arith.constant 0 : i32
    %dma_wait3A_146 = arith.constant 0 : i32
    %dma_wait3A_147 = tpu.memref_slice %arg11[%dma_wait3A, %dma_wait3A_145, %dma_wait3A_146] : memref<6x64x128xf32, #tpu.memory_space<vmem>> -> memref<1x64x128xf32, #tpu.memory_space<vmem>>
    %dma_wait3A_148 = tpu.memref_squeeze %dma_wait3A_147 : memref<1x64x128xf32, #tpu.memory_space<vmem>> -> memref<64x128xf32, #tpu.memory_space<vmem>>
    %dma_wait3A_149 = arith.constant 0 : i32
    %dma_wait3A_150 = arith.constant 0 : i32
    %dma_wait3A_151 = tpu.memref_slice %arg11[%dma_wait3A, %dma_wait3A_149, %dma_wait3A_150] : memref<6x64x128xf32, #tpu.memory_space<vmem>> -> memref<1x64x128xf32, #tpu.memory_space<vmem>>
    %dma_wait3A_152 = tpu.memref_squeeze %dma_wait3A_151 : memref<1x64x128xf32, #tpu.memory_space<vmem>> -> memref<64x128xf32, #tpu.memory_space<vmem>>
    tpu.wait_dma2 semaphore(%arg13 : memref<!tpu.dma_semaphore, #tpu.memory_space<semaphore_mem>>) src(%arg5 : memref<64x128xf32, #tpu.memory_space<hbm>>) dst(%dma_wait3A_152 : memref<64x128xf32, #tpu.memory_space<vmem>>)
    %get3A_153 = arith.constant 510 : i32
    %get3A_154 = arith.index_cast %get3A_153 : i32 to index
    %get3A_155 = memref.load %arg8[%get3A_154] : memref<512xi32, #tpu.memory_space<smem>>
    %ne3A_156 = arith.constant 0 : i32
    %ne3A_157 = arith.cmpi ne, %get3A_155, %ne3A_156 : i32
    %get3A_158 = arith.constant 510 : i32
    %get3A_159 = arith.index_cast %get3A_158 : i32 to index
    %get3A_160 = memref.load %arg7[%get3A_159] : memref<512xi32, #tpu.memory_space<smem>>
    %select_n3A_161 = arith.constant 1000000 : i32
    %select_n3A_162 = arith.select %ne3A_157, %select_n3A_161, %get3A_160 : i32
    %and3A = arith.constant 127 : i32
    %and3A_163 = arith.andi %select_n3A_162, %and3A : i32
    %broadcast_in_dim3A = vector.broadcast %and3A_163 : i32 to vector<16xi32>
    %add3A_164 = arith.constant 0 : i32
    %add3A_165 = vector.broadcast %add3A_164 : i32 to vector<16xi32>
    %add3A_166 = arith.addi %iota3A, %add3A_165 : vector<16xi32>
    %gather3A = arith.constant 0 : i32
    %gather3A_167 = arith.constant 0 : i32
    %gather3A_168 = arith.constant 0 : i32
    %gather3A_169 = tpu.memref_slice %arg11[%gather3A, %gather3A_167, %gather3A_168] : memref<6x64x128xf32, #tpu.memory_space<vmem>> -> memref<1x64x128xf32, #tpu.memory_space<vmem>>
    %gather3A_170 = tpu.memref_squeeze %gather3A_169 : memref<1x64x128xf32, #tpu.memory_space<vmem>> -> memref<64x128xf32, #tpu.memory_space<vmem>>
    %gather3A_171 = tpu.vector_load_idx %gather3A_170[%add3A_166, %broadcast_in_dim3A] : memref<64x128xf32, #tpu.memory_space<vmem>>[vector<16xi32>, vector<16xi32>], vector<16xf32>,
    %swap3A = arith.constant 510 : i32
    %swap3A_172 = arith.constant 0 : i32
    %swap3A_173 = tpu.memref_slice %arg12[%swap3A, %swap3A_172] : memref<512x64xf32, #tpu.memory_space<vmem>> -> memref<1x64xf32, #tpu.memory_space<vmem>>
    %swap3A_174 = tpu.memref_squeeze %swap3A_173 : memref<1x64xf32, #tpu.memory_space<vmem>> -> memref<64xf32, #tpu.memory_space<vmem>>
    %swap3A_175 = arith.constant 0 : index
    %swap3A_176 = tpu.vector_load %swap3A_174[%swap3A_175] {strides = array<i32>} : memref<64xf32, #tpu.memory_space<vmem>>, vector<16xf32>,
    tpu.vector_store %swap3A_174[%swap3A_175], %gather3A_171 {strides = array<i32>} : memref<64xf32, #tpu.memory_space<vmem>>, vector<16xf32>,
    %add3A_177 = arith.constant 16 : i32
    %add3A_178 = vector.broadcast %add3A_177 : i32 to vector<16xi32>
    %add3A_179 = arith.addi %iota3A, %add3A_178 : vector<16xi32>
    %gather3A_180 = arith.constant 0 : i32
    %gather3A_181 = arith.constant 0 : i32
    %gather3A_182 = arith.constant 0 : i32
    %gather3A_183 = tpu.memref_slice %arg11[%gather3A_180, %gather3A_181, %gather3A_182] : memref<6x64x128xf32, #tpu.memory_space<vmem>> -> memref<1x64x128xf32, #tpu.memory_space<vmem>>
    %gather3A_184 = tpu.memref_squeeze %gather3A_183 : memref<1x64x128xf32, #tpu.memory_space<vmem>> -> memref<64x128xf32, #tpu.memory_space<vmem>>
    %gather3A_185 = tpu.vector_load_idx %gather3A_184[%add3A_179, %broadcast_in_dim3A] : memref<64x128xf32, #tpu.memory_space<vmem>>[vector<16xi32>, vector<16xi32>], vector<16xf32>,
    %swap3A_186 = arith.constant 510 : i32
    %swap3A_187 = arith.constant 0 : i32
    %swap3A_188 = tpu.memref_slice %arg12[%swap3A_186, %swap3A_187] : memref<512x64xf32, #tpu.memory_space<vmem>> -> memref<1x64xf32, #tpu.memory_space<vmem>>
    %swap3A_189 = tpu.memref_squeeze %swap3A_188 : memref<1x64xf32, #tpu.memory_space<vmem>> -> memref<64xf32, #tpu.memory_space<vmem>>
    %swap3A_190 = arith.constant 16 : index
    %swap3A_191 = tpu.vector_load %swap3A_189[%swap3A_190] {strides = array<i32>} : memref<64xf32, #tpu.memory_space<vmem>>, vector<16xf32>,
    tpu.vector_store %swap3A_189[%swap3A_190], %gather3A_185 {strides = array<i32>} : memref<64xf32, #tpu.memory_space<vmem>>, vector<16xf32>,
    %add3A_192 = arith.constant 32 : i32
    %add3A_193 = vector.broadcast %add3A_192 : i32 to vector<16xi32>
    %add3A_194 = arith.addi %iota3A, %add3A_193 : vector<16xi32>
    %gather3A_195 = arith.constant 0 : i32
    %gather3A_196 = arith.constant 0 : i32
    %gather3A_197 = arith.constant 0 : i32
    %gather3A_198 = tpu.memref_slice %arg11[%gather3A_195, %gather3A_196, %gather3A_197] : memref<6x64x128xf32, #tpu.memory_space<vmem>> -> memref<1x64x128xf32, #tpu.memory_space<vmem>>
    %gather3A_199 = tpu.memref_squeeze %gather3A_198 : memref<1x64x128xf32, #tpu.memory_space<vmem>> -> memref<64x128xf32, #tpu.memory_space<vmem>>
    %gather3A_200 = tpu.vector_load_idx %gather3A_199[%add3A_194, %broadcast_in_dim3A] : memref<64x128xf32, #tpu.memory_space<vmem>>[vector<16xi32>, vector<16xi32>], vector<16xf32>,
    %swap3A_201 = arith.constant 510 : i32
    %swap3A_202 = arith.constant 0 : i32
    %swap3A_203 = tpu.memref_slice %arg12[%swap3A_201, %swap3A_202] : memref<512x64xf32, #tpu.memory_space<vmem>> -> memref<1x64xf32, #tpu.memory_space<vmem>>
    %swap3A_204 = tpu.memref_squeeze %swap3A_203 : memref<1x64xf32, #tpu.memory_space<vmem>> -> memref<64xf32, #tpu.memory_space<vmem>>
    %swap3A_205 = arith.constant 32 : index
    %swap3A_206 = tpu.vector_load %swap3A_204[%swap3A_205] {strides = array<i32>} : memref<64xf32, #tpu.memory_space<vmem>>, vector<16xf32>,
    tpu.vector_store %swap3A_204[%swap3A_205], %gather3A_200 {strides = array<i32>} : memref<64xf32, #tpu.memory_space<vmem>>, vector<16xf32>,
    %add3A_207 = arith.constant 48 : i32
    %add3A_208 = vector.broadcast %add3A_207 : i32 to vector<16xi32>
    %add3A_209 = arith.addi %iota3A, %add3A_208 : vector<16xi32>
    %gather3A_210 = arith.constant 0 : i32
    %gather3A_211 = arith.constant 0 : i32
    %gather3A_212 = arith.constant 0 : i32
    %gather3A_213 = tpu.memref_slice %arg11[%gather3A_210, %gather3A_211, %gather3A_212] : memref<6x64x128xf32, #tpu.memory_space<vmem>> -> memref<1x64x128xf32, #tpu.memory_space<vmem>>
    %gather3A_214 = tpu.memref_squeeze %gather3A_213 : memref<1x64x128xf32, #tpu.memory_space<vmem>> -> memref<64x128xf32, #tpu.memory_space<vmem>>
    %gather3A_215 = tpu.vector_load_idx %gather3A_214[%add3A_209, %broadcast_in_dim3A] : memref<64x128xf32, #tpu.memory_space<vmem>>[vector<16xi32>, vector<16xi32>], vector<16xf32>,
    %swap3A_216 = arith.constant 510 : i32
    %swap3A_217 = arith.constant 0 : i32
    %swap3A_218 = tpu.memref_slice %arg12[%swap3A_216, %swap3A_217] : memref<512x64xf32, #tpu.memory_space<vmem>> -> memref<1x64xf32, #tpu.memory_space<vmem>>
    %swap3A_219 = tpu.memref_squeeze %swap3A_218 : memref<1x64xf32, #tpu.memory_space<vmem>> -> memref<64xf32, #tpu.memory_space<vmem>>
    %swap3A_220 = arith.constant 48 : index
    %swap3A_221 = tpu.vector_load %swap3A_219[%swap3A_220] {strides = array<i32>} : memref<64xf32, #tpu.memory_space<vmem>>, vector<16xf32>,
    tpu.vector_store %swap3A_219[%swap3A_220], %gather3A_215 {strides = array<i32>} : memref<64xf32, #tpu.memory_space<vmem>>, vector<16xf32>,
    %dma_wait3A_222 = arith.constant 1 : i32
    %dma_wait3A_223 = arith.constant 0 : i32
    %dma_wait3A_224 = arith.constant 0 : i32
    %dma_wait3A_225 = tpu.memref_slice %arg11[%dma_wait3A_222, %dma_wait3A_223, %dma_wait3A_224] : memref<6x64x128xf32, #tpu.memory_space<vmem>> -> memref<1x64x128xf32, #tpu.memory_space<vmem>>
    %dma_wait3A_226 = tpu.memref_squeeze %dma_wait3A_225 : memref<1x64x128xf32, #tpu.memory_space<vmem>> -> memref<64x128xf32, #tpu.memory_space<vmem>>
    %dma_wait3A_227 = arith.constant 0 : i32
    %dma_wait3A_228 = arith.constant 0 : i32
    %dma_wait3A_229 = tpu.memref_slice %arg11[%dma_wait3A_222, %dma_wait3A_227, %dma_wait3A_228] : memref<6x64x128xf32, #tpu.memory_space<vmem>> -> memref<1x64x128xf32, #tpu.memory_space<vmem>>
    %dma_wait3A_230 = tpu.memref_squeeze %dma_wait3A_229 : memref<1x64x128xf32, #tpu.memory_space<vmem>> -> memref<64x128xf32, #tpu.memory_space<vmem>>
    tpu.wait_dma2 semaphore(%arg14 : memref<!tpu.dma_semaphore, #tpu.memory_space<semaphore_mem>>) src(%arg5 : memref<64x128xf32, #tpu.memory_space<hbm>>) dst(%dma_wait3A_230 : memref<64x128xf32, #tpu.memory_space<vmem>>)
    %get3A_231 = arith.constant 511 : i32
    %get3A_232 = arith.index_cast %get3A_231 : i32 to index
    %get3A_233 = memref.load %arg8[%get3A_232] : memref<512xi32, #tpu.memory_space<smem>>
    %ne3A_234 = arith.constant 0 : i32
    %ne3A_235 = arith.cmpi ne, %get3A_233, %ne3A_234 : i32
    %get3A_236 = arith.constant 511 : i32
    %get3A_237 = arith.index_cast %get3A_236 : i32 to index
    %get3A_238 = memref.load %arg7[%get3A_237] : memref<512xi32, #tpu.memory_space<smem>>
    %select_n3A_239 = arith.constant 1000000 : i32
    %select_n3A_240 = arith.select %ne3A_235, %select_n3A_239, %get3A_238 : i32
    %and3A_241 = arith.constant 127 : i32
    %and3A_242 = arith.andi %select_n3A_240, %and3A_241 : i32
    %broadcast_in_dim3A_243 = vector.broadcast %and3A_242 : i32 to vector<16xi32>
    %add3A_244 = arith.constant 0 : i32
    %add3A_245 = vector.broadcast %add3A_244 : i32 to vector<16xi32>
    %add3A_246 = arith.addi %iota3A, %add3A_245 : vector<16xi32>
    %gather3A_247 = arith.constant 1 : i32
    %gather3A_248 = arith.constant 0 : i32
    %gather3A_249 = arith.constant 0 : i32
    %gather3A_250 = tpu.memref_slice %arg11[%gather3A_247, %gather3A_248, %gather3A_249] : memref<6x64x128xf32, #tpu.memory_space<vmem>> -> memref<1x64x128xf32, #tpu.memory_space<vmem>>
    %gather3A_251 = tpu.memref_squeeze %gather3A_250 : memref<1x64x128xf32, #tpu.memory_space<vmem>> -> memref<64x128xf32, #tpu.memory_space<vmem>>
    %gather3A_252 = tpu.vector_load_idx %gather3A_251[%add3A_246, %broadcast_in_dim3A_243] : memref<64x128xf32, #tpu.memory_space<vmem>>[vector<16xi32>, vector<16xi32>], vector<16xf32>,
    %swap3A_253 = arith.constant 511 : i32
    %swap3A_254 = arith.constant 0 : i32
    %swap3A_255 = tpu.memref_slice %arg12[%swap3A_253, %swap3A_254] : memref<512x64xf32, #tpu.memory_space<vmem>> -> memref<1x64xf32, #tpu.memory_space<vmem>>
    %swap3A_256 = tpu.memref_squeeze %swap3A_255 : memref<1x64xf32, #tpu.memory_space<vmem>> -> memref<64xf32, #tpu.memory_space<vmem>>
    %swap3A_257 = arith.constant 0 : index
    %swap3A_258 = tpu.vector_load %swap3A_256[%swap3A_257] {strides = array<i32>} : memref<64xf32, #tpu.memory_space<vmem>>, vector<16xf32>,
    tpu.vector_store %swap3A_256[%swap3A_257], %gather3A_252 {strides = array<i32>} : memref<64xf32, #tpu.memory_space<vmem>>, vector<16xf32>,
    %add3A_259 = arith.constant 16 : i32
    %add3A_260 = vector.broadcast %add3A_259 : i32 to vector<16xi32>
    %add3A_261 = arith.addi %iota3A, %add3A_260 : vector<16xi32>
    %gather3A_262 = arith.constant 1 : i32
    %gather3A_263 = arith.constant 0 : i32
    %gather3A_264 = arith.constant 0 : i32
    %gather3A_265 = tpu.memref_slice %arg11[%gather3A_262, %gather3A_263, %gather3A_264] : memref<6x64x128xf32, #tpu.memory_space<vmem>> -> memref<1x64x128xf32, #tpu.memory_space<vmem>>
    %gather3A_266 = tpu.memref_squeeze %gather3A_265 : memref<1x64x128xf32, #tpu.memory_space<vmem>> -> memref<64x128xf32, #tpu.memory_space<vmem>>
    %gather3A_267 = tpu.vector_load_idx %gather3A_266[%add3A_261, %broadcast_in_dim3A_243] : memref<64x128xf32, #tpu.memory_space<vmem>>[vector<16xi32>, vector<16xi32>], vector<16xf32>,
    %swap3A_268 = arith.constant 511 : i32
    %swap3A_269 = arith.constant 0 : i32
    %swap3A_270 = tpu.memref_slice %arg12[%swap3A_268, %swap3A_269] : memref<512x64xf32, #tpu.memory_space<vmem>> -> memref<1x64xf32, #tpu.memory_space<vmem>>
    %swap3A_271 = tpu.memref_squeeze %swap3A_270 : memref<1x64xf32, #tpu.memory_space<vmem>> -> memref<64xf32, #tpu.memory_space<vmem>>
    %swap3A_272 = arith.constant 16 : index
    %swap3A_273 = tpu.vector_load %swap3A_271[%swap3A_272] {strides = array<i32>} : memref<64xf32, #tpu.memory_space<vmem>>, vector<16xf32>,
    tpu.vector_store %swap3A_271[%swap3A_272], %gather3A_267 {strides = array<i32>} : memref<64xf32, #tpu.memory_space<vmem>>, vector<16xf32>,
    %add3A_274 = arith.constant 32 : i32
    %add3A_275 = vector.broadcast %add3A_274 : i32 to vector<16xi32>
    %add3A_276 = arith.addi %iota3A, %add3A_275 : vector<16xi32>
    %gather3A_277 = arith.constant 1 : i32
    %gather3A_278 = arith.constant 0 : i32
    %gather3A_279 = arith.constant 0 : i32
    %gather3A_280 = tpu.memref_slice %arg11[%gather3A_277, %gather3A_278, %gather3A_279] : memref<6x64x128xf32, #tpu.memory_space<vmem>> -> memref<1x64x128xf32, #tpu.memory_space<vmem>>
    %gather3A_281 = tpu.memref_squeeze %gather3A_280 : memref<1x64x128xf32, #tpu.memory_space<vmem>> -> memref<64x128xf32, #tpu.memory_space<vmem>>
    %gather3A_282 = tpu.vector_load_idx %gather3A_281[%add3A_276, %broadcast_in_dim3A_243] : memref<64x128xf32, #tpu.memory_space<vmem>>[vector<16xi32>, vector<16xi32>], vector<16xf32>,
    %swap3A_283 = arith.constant 511 : i32
    %swap3A_284 = arith.constant 0 : i32
    %swap3A_285 = tpu.memref_slice %arg12[%swap3A_283, %swap3A_284] : memref<512x64xf32, #tpu.memory_space<vmem>> -> memref<1x64xf32, #tpu.memory_space<vmem>>
    %swap3A_286 = tpu.memref_squeeze %swap3A_285 : memref<1x64xf32, #tpu.memory_space<vmem>> -> memref<64xf32, #tpu.memory_space<vmem>>
    %swap3A_287 = arith.constant 32 : index
    %swap3A_288 = tpu.vector_load %swap3A_286[%swap3A_287] {strides = array<i32>} : memref<64xf32, #tpu.memory_space<vmem>>, vector<16xf32>,
    tpu.vector_store %swap3A_286[%swap3A_287], %gather3A_282 {strides = array<i32>} : memref<64xf32, #tpu.memory_space<vmem>>, vector<16xf32>,
    %add3A_289 = arith.constant 48 : i32
    %add3A_290 = vector.broadcast %add3A_289 : i32 to vector<16xi32>
    %add3A_291 = arith.addi %iota3A, %add3A_290 : vector<16xi32>
    %gather3A_292 = arith.constant 1 : i32
    %gather3A_293 = arith.constant 0 : i32
    %gather3A_294 = arith.constant 0 : i32
    %gather3A_295 = tpu.memref_slice %arg11[%gather3A_292, %gather3A_293, %gather3A_294] : memref<6x64x128xf32, #tpu.memory_space<vmem>> -> memref<1x64x128xf32, #tpu.memory_space<vmem>>
    %gather3A_296 = tpu.memref_squeeze %gather3A_295 : memref<1x64x128xf32, #tpu.memory_space<vmem>> -> memref<64x128xf32, #tpu.memory_space<vmem>>
    %gather3A_297 = tpu.vector_load_idx %gather3A_296[%add3A_291, %broadcast_in_dim3A_243] : memref<64x128xf32, #tpu.memory_space<vmem>>[vector<16xi32>, vector<16xi32>], vector<16xf32>,
    %swap3A_298 = arith.constant 511 : i32
    %swap3A_299 = arith.constant 0 : i32
    %swap3A_300 = tpu.memref_slice %arg12[%swap3A_298, %swap3A_299] : memref<512x64xf32, #tpu.memory_space<vmem>> -> memref<1x64xf32, #tpu.memory_space<vmem>>
    %swap3A_301 = tpu.memref_squeeze %swap3A_300 : memref<1x64xf32, #tpu.memory_space<vmem>> -> memref<64xf32, #tpu.memory_space<vmem>>
    %swap3A_302 = arith.constant 48 : index
    %swap3A_303 = tpu.vector_load %swap3A_301[%swap3A_302] {strides = array<i32>} : memref<64xf32, #tpu.memory_space<vmem>>, vector<16xf32>,
    tpu.vector_store %swap3A_301[%swap3A_302], %gather3A_297 {strides = array<i32>} : memref<64xf32, #tpu.memory_space<vmem>>, vector<16xf32>,
    "tpu.region"() ({
      %run_scoped3A = tpu.sem_alloc : memref<!tpu.dma_semaphore, #tpu.memory_space<semaphore_mem>>
      %dma_start3A = arith.constant 0 : i32
      %dma_start3A_304 = tpu.memref_slice %arg6[%mul3A_2, %dma_start3A] : memref<16384x64xf32, #tpu.memory_space<hbm>> -> memref<512x64xf32, #tpu.memory_space<hbm>>
      %dma_start3A_305 = arith.constant 0 : i32
      %dma_start3A_306 = tpu.memref_slice %arg6[%mul3A_2, %dma_start3A_305] : memref<16384x64xf32, #tpu.memory_space<hbm>> -> memref<512x64xf32, #tpu.memory_space<hbm>>
      tpu.enqueue_dma source(%arg12 : memref<512x64xf32, #tpu.memory_space<vmem>>) target(%dma_start3A_306 : memref<512x64xf32, #tpu.memory_space<hbm>>) target_semaphore(%run_scoped3A : memref<!tpu.dma_semaphore, #tpu.memory_space<semaphore_mem>>)
      %dma_wait3A_307 = arith.constant 0 : i32
      %dma_wait3A_308 = tpu.memref_slice %arg6[%mul3A_2, %dma_wait3A_307] : memref<16384x64xf32, #tpu.memory_space<hbm>> -> memref<512x64xf32, #tpu.memory_space<hbm>>
      %dma_wait3A_309 = arith.constant 0 : i32
      %dma_wait3A_310 = tpu.memref_slice %arg6[%mul3A_2, %dma_wait3A_309] : memref<16384x64xf32, #tpu.memory_space<hbm>> -> memref<512x64xf32, #tpu.memory_space<hbm>>
      tpu.wait_dma2 semaphore(%run_scoped3A : memref<!tpu.dma_semaphore, #tpu.memory_space<semaphore_mem>>) src(%arg12 : memref<512x64xf32, #tpu.memory_space<vmem>>) dst(%dma_wait3A_310 : memref<512x64xf32, #tpu.memory_space<hbm>>)
      tpu.yield
    }) : () -> ()
    return
  }
}

</mosaic_0001>

<sc_bundles>
// kernel: kernel.3.cloned.1.call-start
scs
__scs_entry_jumppad:
0x0: {  	(pc) =	sbr.rel $0x88, $3  }
0x1: {  	(tag) =	ssettag $0x0;
	lr =	simm.s32 $0x1  }
0x2: {  	[smem:$0x3F9E] =	sst lr;
	_ =	strace $0xD0000000  }
0x3: {  	_ = 	snop  }
0x4: {  	_ = 	snop  }
0x5: {  	_ = 	snop  }
0x6: {  	_ = 	snop  }
0x7: {  	_ = 	snop  }
__scs_overlays_trampoline_lowered:
0x8: {  	[smem:$0x3FAD] =	sst s0  }
0x9: {  	[smem:$0x3FAE] =	sst s1  }
0xa: {  	[smem:$0x3FAF] =	sst s2  }
0xb: {  	[smem:$0x3FB0] =	sst s3  }
0xc: {  	[smem:$0x3FB1] =	sst s4  }
0xd: {  	[smem:$0x3FB2] =	sst s5  }
0xe: {  	[smem:$0x3FB3] =	sst s6  }
0xf: {  	[smem:$0x3FB4] =	sst s7  }
0x10: {  	[smem:$0x3FB5] =	sst s8  }
0x11: {  	[smem:$0x3FB6] =	sst s9;
	s0 =	simm.s32 @!p0 $0x0  }
0x12: {  	s1 =	sld [smem:$0x3F9C];
	s0 =	simm.s32 @p0 $0x1  }
0x13: {  	[smem:$0x3FB7] =	sst s0;
	s0 =	simm.s32 @!p1 $0x0  }
0x14: {  	s2 =	sld [smem:$0x3F9B];
	s0 =	simm.s32 @p1 $0x1  }
0x15: {  	[smem:$0x3FB8] =	sst s0;
	s0 =	simm.s32 @!p2 $0x0  }
0x16: {  	s3 =	sld [smem:$0x3FDB];
	s0 =	simm.s32 @p2 $0x1  }
0x17: {  	s4 =	simm.s32 $0x1BF5;
	[smem:$0x3FBA] =	sst s0  }
0x18: {  	s0 =	sld [smem:$0x3F9D];
	_ =	swait.ge [sflag:s4], $0x0  }
0x19: {  	s7 =	sld [smem:$0x3F9E]  }
0x1a: {  	s8 =	sadd.s32 $0xFFFFE003, lr  }
0x1b: {  	s9 =	sadd.s32 $0xFFFFFEF7, lr;
	s5 =	simm.s32 $0xFFFFFFFF;
	p2 =	slt.u32 s8, $0xFFFFF086  }
0x1c: {  	p1 =	slt.u32 s9, $0xF7A;
	s5 =	simm.s32 @!p2 $0x0  }
0x1d: {  	s5 =	simm.s32 @p1 $0x1;
	p0 =	seq.s32 s7, s2  }
0x1e: {  	s7 =	smul.u32 @!p0 $0xF7A, s2;
	p2 =	seq.s32 @!p0 s5, $0x0  }
0x1f: {  	s9 =	smul.u32 $0xF7A, s1;
	s8 =	simm.s32 @!p0 $0x1BF5;
	p2 =	por !p2, p0  }
0x20: {  	[sflag:s8] =	ssyncset.s32 @!p0 $0xFFFFF086;
	s6 =	sadd.s32 @!p0 s3, s7;
	s7 =	simm.s32 @!p0 $0x108  }
0x21: {  	s3 =	sadd.s32 s3, s9;
	s6 =	sadd.s32 @!p0 $0x88, s6;
	s7 =	simm.s32 @p2 $0x1082  }
0x22: {  	[simem:s7], [sflag:s8] =	dma.local @!p0 [hbm:s6], $0xF7A  }
0x23: {  	s9 =	sor.u32 $0xD0000000, s2;
	s6 =	simm.s32 $0x108;
	_ =	swait.ge @!p0 [sflag:s8], $0x0  }
0x24: {  	s3 =	sadd.s32 $0x88, s3;
	s6 =	simm.s32 @!p1 $0x1082;
	[sflag:s4] =	ssyncset.s32 $0xFFFFF086  }
0x25: {  	[simem:s6], [sflag:s4] =	dma.local [hbm:s3], $0xF7A  }
0x26: {  	[smem:$0x3F9E] =	sst s1;
	(tag) =	ssettag s2;
	_ =	strace s9  }
0x27: {  	s1 =	sld [smem:$0x3FAE]  }
0x28: {  	s2 =	sld [smem:$0x3FAF]  }
0x29: {  	s4 =	sld [smem:$0x3FB1]  }
0x2a: {  	p0 =	seq.s32 s5, $0x0;
	s5 =	sld [smem:$0x3FB2]  }
0x2b: {  	s6 =	sld [smem:$0x3FB3]  }
0x2c: {  	s7 =	sld [smem:$0x3FB4]  }
0x2d: {  	s3 =	simm.s32 $0x108;
	s8 =	sld [smem:$0x3FB5]  }
0x2e: {  	s3 =	simm.s32 @!p0 $0x1082;
	s9 =	sld [smem:$0x3FB6]  }
0x2f: {  	lr =	sadd.s32 s0, s3;
	s0 =	sld [smem:$0x3FAD]  }
0x30: {  	s3 =	sld [smem:$0x3FB0]  }
0x31: {  	[smem:$0x3FB9] =	sst s10  }
0x32: {  	s10 =	sld [smem:$0x3FB7];
	_ =	sdelay $0x3  }
0x33: {  	p0 =	seq.s32 s10, $0x1;
	s10 =	sld [smem:$0x3FB9];
	_ =	sdelay $0x3  }
0x34: {  	[smem:$0x3FB9] =	sst s10  }
0x35: {  	s10 =	sld [smem:$0x3FB8];
	_ =	sdelay $0x3  }
0x36: {  	p1 =	seq.s32 s10, $0x1;
	s10 =	sld [smem:$0x3FB9];
	_ =	sdelay $0x3  }
0x37: {  	[smem:$0x3FB9] =	sst s10  }
0x38: {  	s10 =	sld [smem:$0x3FBA]  }
0x39: {  	_ = 	snop;
	(pc) =	sbr.ind lr, $3  }
0x3a: {  	_ = 	snop  }
0x3b: {  	_ = 	snop  }
0x3c: {  	p2 =	seq.s32 s10, $0x1;
	s10 =	sld [smem:$0x3FB9]  }
0x3d: {  	_ =	shalt  }
0x3e: {  	_ =	shalt  }
0x3f: {  	_ =	shalt  }
0x40: {  	_ =	shalt  }
0x41: {  	_ =	shalt  }
0x42: {  	_ =	shalt  }
0x43: {  	_ =	shalt  }
0x44: {  	_ =	shalt  }
0x45: {  	_ =	shalt  }
0x46: {  	_ =	shalt  }
0x47: {  	_ =	shalt  }
0x48: {  	_ =	shalt  }
0x49: {  	_ =	shalt  }
0x4a: {  	_ =	shalt  }
0x4b: {  	_ =	shalt  }
0x4c: {  	_ =	shalt  }
0x4d: {  	_ =	shalt  }
0x4e: {  	_ =	shalt  }
0x4f: {  	_ =	shalt  }
0x50: {  	_ =	shalt  }
0x51: {  	_ =	shalt  }
0x52: {  	_ =	shalt  }
0x53: {  	_ =	shalt  }
0x54: {  	_ =	shalt  }
0x55: {  	_ =	shalt  }
0x56: {  	_ =	shalt  }
0x57: {  	_ =	shalt  }
0x58: {  	_ =	shalt  }
0x59: {  	_ =	shalt  }
0x5a: {  	_ =	shalt  }
0x5b: {  	_ =	shalt  }
0x5c: {  	_ =	shalt  }
0x5d: {  	_ =	shalt  }
0x5e: {  	_ =	shalt  }
0x5f: {  	_ =	shalt  }
0x60: {  	_ =	shalt  }
0x61: {  	_ =	shalt  }
0x62: {  	_ =	shalt  }
0x63: {  	_ =	shalt  }
0x64: {  	_ =	shalt  }
0x65: {  	_ =	shalt  }
0x66: {  	_ =	shalt  }
0x67: {  	_ =	shalt  }
0x68: {  	_ =	shalt  }
0x69: {  	_ =	shalt  }
0x6a: {  	_ =	shalt  }
0x6b: {  	_ =	shalt  }
0x6c: {  	_ =	shalt  }
0x6d: {  	_ =	shalt  }
0x6e: {  	_ =	shalt  }
0x6f: {  	_ =	shalt  }
0x70: {  	_ =	shalt  }
0x71: {  	_ =	shalt  }
0x72: {  	_ =	shalt  }
0x73: {  	_ =	shalt  }
0x74: {  	_ =	shalt  }
0x75: {  	_ =	shalt  }
0x76: {  	_ =	shalt  }
0x77: {  	_ =	shalt  }
0x78: {  	_ =	shalt  }
0x79: {  	_ =	shalt  }
0x7a: {  	_ =	shalt  }
0x7b: {  	_ =	shalt  }
0x7c: {  	_ =	shalt  }
0x7d: {  	_ =	shalt  }
0x7e: {  	_ =	shalt  }
0x7f: {  	_ =	shalt  }
0x80: {  	_ =	shalt  }
0x81: {  	_ =	shalt  }
0x82: {  	_ =	shalt  }
0x83: {  	_ =	shalt  }
0x84: {  	_ =	shalt  }
0x85: {  	_ =	shalt  }
0x86: {  	_ =	shalt  }
0x87: {  	_ =	shalt  }
.Lfunc_end0:
.L_simem_size_0:
called_computation_lowered:
.L_overlay_start_0:
0x88: {  	s2 =	sld [smem:$0x3FD9]  }
0x89: {  	s3 =	sld [smem:$0x3FFE];
	_ =	sdelay $0x1  }
0x8a: {  	s1 =	srdreg.scid  }
0x8b: {  	s0 =	sand.u32 $0x1, s1  }
0x8c: {  	s17 =	sshll.u32 s0, $0xA;
	s2 =	sadd.s32 s3, s2  }
0x8d: {  	s2 =	sadd.s32 s2, s17  }
0x8e: {  	[smem:$0x3FC5] =	sst s2  }
0x8f: {  	_ = 	snop  }
0x90: {  	s2 =	sld [smem:$0x3FC9]  }
0x91: {  	s18 =	sld [smem:$0x3FC7]  }
0x92: {  	s4 =	sld [smem:$0x3FD0];
	(tm) =	ssettm $0x1  }
0x93: {  	s5 =	sld [smem:$0x3FFB];
	_ =	sdelay $0x3  }
0x94: {  	_ =	strace s5  }
0x95: {  	s5 =	sld [smem:$0x3FFC];
	_ =	sdelay $0x3  }
0x96: {  	_ =	strace s5  }
0x97: {  	s5 =	sld [smem:$0x3FFD];
	_ =	sdelay $0x3  }
0x98: {  	_ =	strace s5  }
0x99: {  	_ =	strace $0x8FFFFFFF  }
0x9a: {  	s19 =	sld [smem:$0x3FDB];
	_ =	sdelay $0x1  }
0x9b: {  	s6 =	simm.s32 $_scs_section_size  }
0x9c: {  	s7 =	simm.s32 $_size__tile_overlayer_lowered;
	s8 =	simm.s32 $_tile_overlayer_lowered  }
0x9d: {  	s22 =	simm.s32 $0x1BFF;
	s21 =	sshll.u32 s8, $0x1;
	s5 =	sadd.s32 s6, s19  }
0x9e: {  	s9 =	simm.s32 $0x0;
	s20 =	sshll.u32 s7, $0x1;
	s7 =	sadd.s32 s21, s5  }
0x9f: {  	[timem:s9], [sflag:s22] =	dma.local [hbm:s7], s20  }
0xa0: {  	_ =	swait.ge [sflag:s22], s20  }
0xa1: {  	s6 =	ssub.s32 $0x0, s20;
	[sflag:s22] =	ssyncset.done $0x0  }
0xa2: {  	[sflag:s22] =	ssyncadd.s32 s6;
	_ =	sdelay $0x1  }
0xa3: {  	s23 =	simm.s32 $0x1B8B  }
0xa4: {  	_ =	swait.ge [sflag:s23], $0x1  }
0xa5: {  	[sflag:s23] =	ssyncset.done $0x0  }
0xa6: {  	s25 =	simm.s32 $0x1B8E;
	s24 =	sld [smem:$0x3FFE];
	[sflag:s23] =	ssyncadd.s32 $0xFFFFFFFF  }
0xa7: {  	s26 =	simm.s32 $execute0_lowered;
	[smem:$0x3FD2] =	sst s25  }
0xa8: {  	s7 =	sshll.u32 s26, $0x1;
	_ =	strace $0x80000046;
	[dreg:$0x1] =	wrdreg $0xFFFFFFFF  }
0xa9: {  	s28 =	simm.s32 $_size_execute0_lowered;
	s5 =	sadd.s32 s5, s7;
	[dreg:$0x0] =	wrdreg $0x0  }
0xaa: {  	s7 =	sshll.u32 s28, $0x1;
	[dreg:$0x2] =	wrdreg s5  }
0xab: {  	[dreg:$0x3] =	wrdreg s7  }
0xac: {  	[dreg:$0x4] =	wrdreg $0xC0  }
0xad: {  	_ =	task [dreg:s9], $0x5FFFF  }
0xae: {  	[dreg:$0x1] =	wrdreg $0xFFFFFFFF  }
0xaf: {  	[dreg:$0x0] =	wrdreg $0x60  }
0xb0: {  	[dreg:$0x2] =	wrdreg s2  }
0xb1: {  	[dreg:$0x3] =	wrdreg s4  }
0xb2: {  	[dreg:$0x4] =	wrdreg s18  }
0xb3: {  	[dreg:$0x5] =	wrdreg s24  }
0xb4: {  	[dreg:$0x6] =	wrdreg $0x0  }
0xb5: {  	[dreg:$0x7] =	wrdreg $0x4000  }
0xb6: {  	[dreg:$0x8] =	wrdreg $0x9  }
0xb7: {  	_ =	task.clear_ibuf [dreg:s9], $0x9FFFF;
	_ =	strace $0x90000046  }
0xb8: {  	s29 =	simm.s32 $0x9;
	_ =	strace $0x80000048  }
0xb9: {  	_ =	swait.ge [sflag:s29], $0x1  }
0xba: {  	[sflag:s29] =	ssyncadd.s32 $0xFFFFFFFF  }
0xbb: {  	_ =	strace $0x90000048  }
0xbc: {  	_ =	sfence  }
0xbd: {  	s30 =	sld [smem:$0x0];
	_ =	sdelay $0x2  }
0xbe: {  	s31 =	sshll.u32 s1, $0xD;
	s1 =	sshrl.u32 s1, $0x2  }
0xbf: {  	s3 =	sand.u32 $0x4000, s31;
	s1 =	sadd.s32 s1, s30  }
0xc0: {  	s0 =	sor.u32 s3, s0;
	s1 =	sshll.u32 s1, $0x11  }
0xc1: {  	s0 =	sor.u32 s1, s0  }
0xc2: {  	s0 =	sadd.s32 $0x8F2B, s0  }
0xc3: {  	[sflag:s0] =	ssyncadd.remote.s32 $0x1  }
0xc4: {  	_ =	sfence.sel $0xFFFF  }
0xc5: {  	[dreg:$0x0] =	wrdreg $0xFFFFFFFF;
	(pc) =	sbr.abs _section_cstart, $3  }
0xc6: {  	[dreg:$0x1] =	wrdreg $0xFFFFFFFF  }
0xc7: {  	_ =	task.clear_ibuf [dreg:s9], $0x2FFFF;
	_ =	strace $0x9FFFFFFF  }
0xc8: {  	(tm) =	ssettm $0x7FFFFFFF  }
0xc9: {  	_ =	shalt  }
tec
execute0_lowered:
.L_overlay_start_1:
0x0: {  	(tag) =	ssettag $0x1  }
0x1: {  	s0 =	rddreg [dreg:$0x0]  }
0x2: {  	s2 =	rddreg [dreg:$0x1]  }
0x3: {  	s1 =	rddreg [dreg:$0x2]  }
0x4: {  	s3 =	rddreg [dreg:$0x3]  }
0x5: {  	s5 =	rddreg [dreg:$0x4]  }
0x6: {  	s6 =	rddreg [dreg:$0x5]  }
0x7: {  	s4 =	srdreg.scid;
	s12 =	stileid.u32;
	s13 =	simm.s32 $0x0  }
0x8: {  	s31 =	simm.s32 $0x800;
	s28 =	simm.s32 $0x6800;
	s29 =	simm.s32 $0x5  }
0x9: {  	s30 =	simm.s32 $0x8800;
	s7 =	sand.u32 $0x1, s4;
	s15 =	sshll.u32 s12, $0x1  }
0xa: {  	[smem:$0x7FF] =	sst s13;
	s4 =	sadd.s32 $0x400, s3;
	s10 =	sshll.u32 s12, $0xA  }
0xb: {  	s18 =	sshll.u32 s12, $0x6;
	s8 =	sor.u32 s7, s15;
	_ =	strace $0x80000047  }
0xc: {  	s7 =	ssub.s32 $0x2, s7;
	s9 =	sshll.u32 s8, $0xD;
	s11 =	sshll.u32 s8, $0x7  }
0xd: {  	s16 =	sshrl.u32 s7, $0x1;
	s17 =	sshll.u32 s8, $0x6;
	s3 =	sadd.s32 s9, s3  }
0xe: {  	s10 =	sor.u32 s10, s11;
	s9 =	ssub.s32 s7, s16;
	s0 =	sadd.s32 s0, s17  }
0xf: {  	s7 =	sor.u32 $0x1C07, s18;
	s19 =	sadd.s32 s2, s17;
	[dreg:$0x7] =	wrdreg s0  }
0x10: {  	s2 =	simm.s32 $0x2800;
	s10 =	sand.u32 $0x3380, s10;
	[dreg:$0x8] =	wrdreg s19  }
0x11: {  	s20 =	sadd.s32 $0x800, s3;
	s21 =	smax.u32 s9, $0x1;
	s19 =	simm.s32 $0x1  }
0x12: {  	s0 =	simm.s32 $0x2;
	s3 =	simm.s32 $0x6;
	s9 =	simm.s32 $0x0  }
0x13: {  	s5 =	sadd.s32 s10, s5;
	s8 =	sadd.s32 s10, s6;
	[dreg:$0x9] =	wrdreg s20  }
0x14: {  	[dreg:$0xa] =	wrdreg s21;
	s20 =	simm.s32 $0x80;
	s22 =	sadd.s32 $0x400, s5  }
0x15: {  	s6 =	simm.s32 $0xA800;
	s23 =	sadd.s32 $0x800, s5;
	[dreg:$0xb] =	wrdreg s22  }
.Ltmp0:
0x16: {  	s24 =	sadd.s32 $0xC00, s5;
	[dreg:$0xc] =	wrdreg s23;
	(pc) =	sbr.rel .LBB2_1-.Ltmp0, $4  }
0x17: {  	v0 =	vlaneseq.u32;
	s25 =	sadd.s32 $0x400, s8;
	s26 =	sadd.s32 $0x800, s8;
	[dreg:$0xd] =	wrdreg s24  }
0x18: {  	v0 =	vmul.u32 $0x80, v0;
	s17 =	sadd.s32 $0xC00, s8;
	s18 =	sshrl.u32 s5, $0x3;
	[dreg:$0xe] =	wrdreg s25  }
0x19: {  	[dreg:$0xf] =	wrdreg s26;
	s22 =	simm.s32 $0x7;
	s23 =	sshrl.u32 s8, $0x3  }
0x1a: {  	v1 =	vor.u32 $0x800, v0;
	v2 =	vor.u32 $0x1000, v0;
	v3 =	vor.u32 $0x1800, v0;
	s24 =	simm.s32 $0x3;
	s25 =	simm.s32 $0x4800;
	s26 =	simm.s32 $0x4  }
.LBB2_4:
0x1b: {  	_ =	swait.ge [sflag:s19], $0x2000  }
0x1c: {  	[sflag:s19] =	ssyncset.done $0x0  }
0x1d: {  	[sflag:s19] =	ssyncadd.s32 $0xFFFFE000  }
0x1e: {  	s10 =	sld [smem:$0x3FE]  }
0x1f: {  	s11 =	sld [smem:$0x1FE];
	_ =	sdelay $0x2  }
0x20: {  	p0 =	seq.s32 s10, $0x0;
	s10 =	sand.u32 $0x7F, s11  }
0x21: {  	s10 =	simm.s32 @!p0 $0x40  }
0x22: {  	v4 =	vor.u32 s10, v0;
	_ =	sdelay $0x4  }
0x23: {  	v4 =	vld.idx.msk [tilespmem:v4+s31+$0x0], $0xffff  }
0x24: {  	v5 =	vor.u32 s10, v1;
	_ =	sdelay $0x3  }
0x25: {  	[tilespmem:$0x1C700] =	vst v4  }
0x26: {  	v4 =	vld.idx.msk [tilespmem:v5+s31+$0x0], $0xffff  }
0x27: {  	v5 =	vor.u32 s10, v2;
	_ =	sdelay $0x3  }
0x28: {  	[tilespmem:$0x1C710] =	vst v4  }
0x29: {  	v4 =	vld.idx.msk [tilespmem:v5+s31+$0x0], $0xffff  }
0x2a: {  	v5 =	vor.u32 s10, v3;
	_ =	sdelay $0x3  }
0x2b: {  	[tilespmem:$0x1C720] =	vst v4  }
0x2c: {  	v4 =	vld.idx.msk [tilespmem:v5+s31+$0x0], $0xffff;
	_ =	sdelay $0x4  }
0x2d: {  	[tilespmem:$0x1C730] =	vst v4  }
0x2e: {  	_ =	swait.ge [sflag:s0], $0x2000  }
0x2f: {  	[sflag:s0] =	ssyncset.done $0x0  }
0x30: {  	[sflag:s0] =	ssyncadd.s32 $0xFFFFE000  }
0x31: {  	s13 =	sld [smem:$0x3FF]  }
0x32: {  	s14 =	sld [smem:$0x1FF];
	_ =	sdelay $0x2  }
0x33: {  	p0 =	seq.s32 s13, $0x0;
	s10 =	sand.u32 $0x7F, s14  }
0x34: {  	s10 =	simm.s32 @!p0 $0x40  }
0x35: {  	v4 =	vor.u32 s10, v0;
	_ =	sdelay $0x4  }
0x36: {  	v4 =	vld.idx.msk [tilespmem:v4+s2+$0x0], $0xffff  }
0x37: {  	v5 =	vor.u32 s10, v1;
	_ =	sdelay $0x3  }
0x38: {  	[tilespmem:$0x1C780] =	vst v4  }
0x39: {  	v4 =	vld.idx.msk [tilespmem:v5+s2+$0x0], $0xffff  }
0x3a: {  	v5 =	vor.u32 s10, v2;
	_ =	sdelay $0x3  }
0x3b: {  	[tilespmem:$0x1C790] =	vst v4  }
0x3c: {  	v4 =	vld.idx.msk [tilespmem:v5+s2+$0x0], $0xffff  }
0x3d: {  	v5 =	vor.u32 s10, v3;
	_ =	sdelay $0x3  }
0x3e: {  	[tilespmem:$0x1C7A0] =	vst v4  }
0x3f: {  	v4 =	vld.idx.msk [tilespmem:v5+s2+$0x0], $0xffff;
	_ =	sdelay $0x4  }
0x40: {  	s16 =	simm.s32 $0xC800;
	s15 =	rddreg [dreg:$0x9];
	s13 =	simm.s32 $0x0;
	[tilespmem:$0x1C7B0] =	vst v4  }
0x41: {  	[hbm4b:s15+s13] =	stream.linear.scatter [tilespmem:s16], [sflag:$0x7], $0x10000, $0x38;
	[tilespmem:$0x1C800] =	vst v63  }
0x42: {  	_ =	swait.ge [sflag:s22], $0x10000  }
0x43: {  	s9 =	sadd.s32 $0x1, s9;
	s21 =	rddreg [dreg:$0xa]  }
0x44: {  	p0 =	sne.s32 s9, s21  }
.Ltmp1:
0x45: {  	_ = 	snop;
	(pc) =	sbr.rel @!p0 .LBB2_5-.Ltmp1, $3  }
0x46: {  	_ =	sdelay $0x1  }
0x47: {  	[sflag:s22] =	ssyncset.done $0x0  }
0x48: {  	[sflag:s22] =	ssyncadd.s32 $0xFFFF0000  }
.LBB2_1:
0x49: {  	s10 =	rddreg [dreg:$0x7];
	s11 =	simm.s32 $0x10  }
0x4a: {  	[spmem:s18@s20], [sflag:s7] =	dma.strided [hbm:s10@s11], $0x40, s19, $0x10   }
0x4b: {  	_ =	swait.ge [sflag:s22], $0x40  }
0x4c: {  	[sflag:s22] =	ssyncset.done $0x0  }
0x4d: {  	s21 =	rddreg [dreg:$0x8];
	[sflag:s22] =	ssyncadd.s32 $0xFFFFFFC0  }
0x4e: {  	[spmem:s23@s20], [sflag:s7] =	dma.strided [hbm:s21@s11], $0x40, s19, $0x10   }
0x4f: {  	_ =	swait.ge [sflag:s22], $0x40  }
0x50: {  	[sflag:s22] =	ssyncset.done $0x0  }
0x51: {  	[sflag:s22] =	ssyncadd.s32 $0xFFFFFFC0  }
0x52: {  	[smem:s13], [sflag:$0x7] =	stream.linear.gather [spmem:s5], $0x80, $0x38;
	[tilespmem:$0x1C800] =	vst v63  }
0x53: {  	s12 =	rddreg [dreg:$0xb]  }
0x54: {  	[smem:s20], [sflag:$0x7] =	stream.linear.gather [spmem:s12], $0x80, $0x38;
	[tilespmem:$0x1C800] =	vst v63  }
0x55: {  	s13 =	simm.s32 $0x100;
	s10 =	rddreg [dreg:$0xc]  }
0x56: {  	[smem:s13], [sflag:$0x7] =	stream.linear.gather [spmem:s10], $0x80, $0x38;
	[tilespmem:$0x1C800] =	vst v63  }
0x57: {  	s14 =	simm.s32 $0x180;
	s10 =	rddreg [dreg:$0xd]  }
0x58: {  	[smem:s14], [sflag:$0x7] =	stream.linear.gather [spmem:s10], $0x80, $0x38;
	[tilespmem:$0x1C800] =	vst v63  }
0x59: {  	_ =	swait.ge [sflag:s22], $0x200  }
0x5a: {  	[sflag:s22] =	ssyncset.done $0x0  }
0x5b: {  	s15 =	simm.s32 $0x200;
	[sflag:s22] =	ssyncadd.s32 $0xFFFFFE00  }
0x5c: {  	[smem:s15], [sflag:$0x7] =	stream.linear.gather [spmem:s8], $0x80, $0x38;
	[tilespmem:$0x1C800] =	vst v63  }
0x5d: {  	s16 =	simm.s32 $0x280;
	s10 =	rddreg [dreg:$0xe]  }
0x5e: {  	[smem:s16], [sflag:$0x7] =	stream.linear.gather [spmem:s10], $0x80, $0x38;
	[tilespmem:$0x1C800] =	vst v63  }
0x5f: {  	s21 =	simm.s32 $0x300;
	s10 =	rddreg [dreg:$0xf]  }
0x60: {  	[smem:s21], [sflag:$0x7] =	stream.linear.gather [spmem:s10], $0x80, $0x38;
	[tilespmem:$0x1C800] =	vst v63  }
0x61: {  	s12 =	simm.s32 $0x380  }
0x62: {  	[smem:s12], [sflag:$0x7] =	stream.linear.gather [spmem:s17], $0x80, $0x38;
	[tilespmem:$0x1C800] =	vst v63  }
0x63: {  	_ =	swait.ge [sflag:s22], $0x200  }
0x64: {  	[sflag:s22] =	ssyncset.done $0x0  }
0x65: {  	[sflag:s22] =	ssyncadd.s32 $0xFFFFFE00  }
0x66: {  	s13 =	sld [smem:$0x200]  }
0x67: {  	s14 =	sld [smem:$0x0];
	_ =	sdelay $0x2  }
0x68: {  	p0 =	seq.s32 s13, $0x0;
	s10 =	sshra.s32 s14, $0x7  }
0x69: {  	s10 =	simm.s32 @!p0 $0x1E84  }
0x6a: {  	s15 =	sld [smem:$0x201];
	p0 =	sgt.s32 s10, $0x1E83  }
0x6b: {  	s16 =	sld [smem:$0x1];
	p1 =	sne.s32 @p0 s10, $0x1E84  }
0x6c: {  	s10 =	sshll.u32 @!p0 s10, $0x7;
	s13 =	simm.s32 @!p0 $0x400;
	p1 =	por p1, !p0  }
0x6d: {  	s10 =	sand.u32 @!p0 $0x1FFFFF80, s10;
	s11 =	simm.s32 @!p1 $0x0;
	s12 =	simm.s32 @!p1 $0x800  }
0x6e: {  	[tilespmem:s12], [sflag:$0x1] =	stream.linear.gather @!p1 [hbm4b:s4+s11], $0x2000, $0x38;
	[tilespmem:$0x1C800] =	vst v63  }
0x6f: {  	s21 =	simm.s32 @!p0 $0x7A1400;
	s14 =	simm.s32 @!p0 $0x800;
	s10 =	sadd.s32 @!p0 s1, s10  }
0x70: {  	[tilespmem:s14], [sflag:$0x1] =	stream.strided.gather @!p0 [hbm4b:s10+s13], $0x2000, s21, s13, $0x38;
	[tilespmem:$0x1C800] =	vst v63  }
0x71: {  	p0 =	seq.s32 s15, $0x0;
	s10 =	sshra.s32 s16, $0x7  }
0x72: {  	s10 =	simm.s32 @!p0 $0x1E84  }
0x73: {  	s15 =	sld [smem:$0x202];
	p0 =	sgt.s32 s10, $0x1E83  }
0x74: {  	s16 =	sld [smem:$0x2];
	p1 =	sne.s32 @p0 s10, $0x1E84  }
0x75: {  	s10 =	sshll.u32 @!p0 s10, $0x7;
	s13 =	simm.s32 @!p0 $0x400;
	p1 =	por p1, !p0  }
0x76: {  	s10 =	sand.u32 @!p0 $0x1FFFFF80, s10;
	s11 =	simm.s32 @!p1 $0x0;
	s12 =	simm.s32 @!p1 $0x2800  }
0x77: {  	[tilespmem:s12], [sflag:$0x2] =	stream.linear.gather @!p1 [hbm4b:s4+s11], $0x2000, $0x38;
	[tilespmem:$0x1C800] =	vst v63  }
0x78: {  	s14 =	simm.s32 @!p0 $0x7A1400;
	s21 =	simm.s32 @!p0 $0x2800;
	s10 =	sadd.s32 @!p0 s1, s10  }
0x79: {  	[tilespmem:s21], [sflag:$0x2] =	stream.strided.gather @!p0 [hbm4b:s10+s13], $0x2000, s14, s13, $0x38;
	[tilespmem:$0x1C800] =	vst v63  }
0x7a: {  	p0 =	seq.s32 s15, $0x0;
	s10 =	sshra.s32 s16, $0x7  }
0x7b: {  	s10 =	simm.s32 @!p0 $0x1E84  }
0x7c: {  	s15 =	sld [smem:$0x203];
	p0 =	sgt.s32 s10, $0x1E83  }
0x7d: {  	s16 =	sld [smem:$0x3];
	p1 =	sne.s32 @p0 s10, $0x1E84  }
0x7e: {  	s10 =	sshll.u32 @!p0 s10, $0x7;
	s13 =	simm.s32 @!p0 $0x400;
	p1 =	por p1, !p0  }
0x7f: {  	s10 =	sand.u32 @!p0 $0x1FFFFF80, s10;
	s11 =	simm.s32 @!p1 $0x0;
	s12 =	simm.s32 @!p1 $0x4800  }
0x80: {  	[tilespmem:s12], [sflag:$0x3] =	stream.linear.gather @!p1 [hbm4b:s4+s11], $0x2000, $0x38;
	[tilespmem:$0x1C800] =	vst v63  }
0x81: {  	s14 =	simm.s32 @!p0 $0x7A1400;
	s21 =	simm.s32 @!p0 $0x4800;
	s10 =	sadd.s32 @!p0 s1, s10  }
0x82: {  	[tilespmem:s21], [sflag:$0x3] =	stream.strided.gather @!p0 [hbm4b:s10+s13], $0x2000, s14, s13, $0x38;
	[tilespmem:$0x1C800] =	vst v63  }
0x83: {  	p0 =	seq.s32 s15, $0x0;
	s10 =	sshra.s32 s16, $0x7  }
0x84: {  	s10 =	simm.s32 @!p0 $0x1E84  }
0x85: {  	s15 =	sld [smem:$0x204];
	p0 =	sgt.s32 s10, $0x1E83  }
0x86: {  	s16 =	sld [smem:$0x4];
	p1 =	sne.s32 @p0 s10, $0x1E84  }
0x87: {  	s10 =	sshll.u32 @!p0 s10, $0x7;
	s13 =	simm.s32 @!p0 $0x400;
	p1 =	por p1, !p0  }
0x88: {  	s10 =	sand.u32 @!p0 $0x1FFFFF80, s10;
	s11 =	simm.s32 @!p1 $0x0;
	s12 =	simm.s32 @!p1 $0x6800  }
0x89: {  	[tilespmem:s12], [sflag:$0x4] =	stream.linear.gather @!p1 [hbm4b:s4+s11], $0x2000, $0x38;
	[tilespmem:$0x1C800] =	vst v63  }
0x8a: {  	s14 =	simm.s32 @!p0 $0x7A1400;
	s21 =	simm.s32 @!p0 $0x6800;
	s10 =	sadd.s32 @!p0 s1, s10  }
0x8b: {  	[tilespmem:s21], [sflag:$0x4] =	stream.strided.gather @!p0 [hbm4b:s10+s13], $0x2000, s14, s13, $0x38;
	[tilespmem:$0x1C800] =	vst v63  }
0x8c: {  	p0 =	seq.s32 s15, $0x0;
	s10 =	sshra.s32 s16, $0x7  }
0x8d: {  	s10 =	simm.s32 @!p0 $0x1E84  }
0x8e: {  	s15 =	sld [smem:$0x205];
	p0 =	sgt.s32 s10, $0x1E83  }
0x8f: {  	s16 =	sld [smem:$0x5];
	p1 =	sne.s32 @p0 s10, $0x1E84  }
0x90: {  	s10 =	sshll.u32 @!p0 s10, $0x7;
	s13 =	simm.s32 @!p0 $0x400;
	p1 =	por p1, !p0  }
0x91: {  	s10 =	sand.u32 @!p0 $0x1FFFFF80, s10;
	s11 =	simm.s32 @!p1 $0x0;
	s12 =	simm.s32 @!p1 $0x8800  }
0x92: {  	[tilespmem:s12], [sflag:$0x5] =	stream.linear.gather @!p1 [hbm4b:s4+s11], $0x2000, $0x38;
	[tilespmem:$0x1C800] =	vst v63  }
0x93: {  	s14 =	simm.s32 @!p0 $0x7A1400;
	s21 =	simm.s32 @!p0 $0x8800;
	s10 =	sadd.s32 @!p0 s1, s10  }
0x94: {  	[tilespmem:s21], [sflag:$0x5] =	stream.strided.gather @!p0 [hbm4b:s10+s13], $0x2000, s14, s13, $0x38;
	[tilespmem:$0x1C800] =	vst v63  }
0x95: {  	p0 =	seq.s32 s15, $0x0;
	s10 =	sshra.s32 s16, $0x7  }
0x96: {  	s10 =	simm.s32 @!p0 $0x1E84  }
0x97: {  	p0 =	sgt.s32 s10, $0x1E83  }
0x98: {  	p1 =	sne.s32 @p0 s10, $0x1E84  }
0x99: {  	s10 =	sshll.u32 @!p0 s10, $0x7;
	s13 =	simm.s32 @!p0 $0xA800;
	p1 =	por p1, !p0  }
0x9a: {  	s10 =	sand.u32 @!p0 $0x1FFFFF80, s10;
	s11 =	simm.s32 @!p1 $0x0;
	s12 =	simm.s32 @!p1 $0xA800  }
0x9b: {  	[tilespmem:s12], [sflag:$0x6] =	stream.linear.gather @!p1 [hbm4b:s4+s11], $0x2000, $0x38;
	[tilespmem:$0x1C800] =	vst v63  }
0x9c: {  	s10 =	sadd.s32 @!p0 s1, s10;
	s11 =	simm.s32 @!p0 $0x400;
	s12 =	simm.s32 @!p0 $0x7A1400  }
0x9d: {  	[tilespmem:s13], [sflag:$0x6] =	stream.strided.gather @!p0 [hbm4b:s10+s11], $0x2000, s12, s11, $0x38;
	[tilespmem:$0x1C800] =	vst v63  }
0x9e: {  	s10 =	simm.s32 $0xC980;
	s11 =	simm.s32 $0x0  }
.LBB2_2:
0x9f: {  	_ =	swait.ge [sflag:s19], $0x2000  }
0xa0: {  	[sflag:s19] =	ssyncset.done $0x0  }
0xa1: {  	s12 =	sshra.s32 s11, $0x2;
	[sflag:s19] =	ssyncadd.s32 $0xFFFFE000  }
0xa2: {  	s13 =	sld [smem:s12+$0x200]  }
0xa3: {  	s14 =	sld [smem:s12+$0x0];
	_ =	sdelay $0x2  }
0xa4: {  	p0 =	seq.s32 s13, $0x0;
	s13 =	sand.u32 $0x7F, s14  }
0xa5: {  	s13 =	simm.s32 @!p0 $0x40  }
0xa6: {  	v4 =	vor.u32 s13, v0;
	_ =	sdelay $0x4  }
0xa7: {  	v4 =	vld.idx.msk [tilespmem:v4+s31+$0x0], $0xffff  }
0xa8: {  	v5 =	vor.u32 s13, v1;
	_ =	sdelay $0x3  }
0xa9: {  	[tilespmem:s10+$0xFFFFFE80] =	vst v4  }
0xaa: {  	v4 =	vld.idx.msk [tilespmem:v5+s31+$0x0], $0xffff  }
0xab: {  	v5 =	vor.u32 s13, v2;
	_ =	sdelay $0x3  }
0xac: {  	[tilespmem:s10+$0xFFFFFE90] =	vst v4  }
0xad: {  	v4 =	vld.idx.msk [tilespmem:v5+s31+$0x0], $0xffff  }
0xae: {  	v5 =	vor.u32 s13, v3  }
0xaf: {  	s16 =	sld [smem:s12+$0x206]  }
0xb0: {  	s21 =	sld [smem:s12+$0x6];
	_ =	sdelay $0x1  }
0xb1: {  	[tilespmem:s10+$0xFFFFFEA0] =	vst v4  }
0xb2: {  	p0 =	seq.s32 s16, $0x0;
	s13 =	sshra.s32 s21, $0x7;
	v4 =	vld.idx.msk [tilespmem:v5+s31+$0x0], $0xffff  }
0xb3: {  	s13 =	simm.s32 @!p0 $0x1E84  }
0xb4: {  	p0 =	sgt.s32 s13, $0x1E83  }
0xb5: {  	p1 =	sne.s32 @p0 s13, $0x1E84  }
0xb6: {  	s13 =	sshll.u32 @!p0 s13, $0x7;
	s15 =	simm.s32 @!p0 $0x800;
	p1 =	por p1, !p0  }
0xb7: {  	s13 =	sand.u32 @!p0 $0x1FFFFF80, s13;
	s14 =	simm.s32 @!p1 $0x0;
	s21 =	simm.s32 @!p1 $0x800;
	[tilespmem:s10+$0xFFFFFEB0] =	vst v4  }
0xb8: {  	[tilespmem:s21], [sflag:$0x1] =	stream.linear.gather @!p1 [hbm4b:s4+s14], $0x2000, $0x38;
	[tilespmem:$0x1C800] =	vst v63  }
0xb9: {  	s13 =	sadd.s32 @!p0 s1, s13;
	s14 =	simm.s32 @!p0 $0x400;
	s21 =	simm.s32 @!p0 $0x7A1400  }
0xba: {  	[tilespmem:s15], [sflag:$0x1] =	stream.strided.gather @!p0 [hbm4b:s13+s14], $0x2000, s21, s14, $0x38;
	[tilespmem:$0x1C800] =	vst v63  }
0xbb: {  	_ =	swait.ge [sflag:s0], $0x2000  }
0xbc: {  	[sflag:s0] =	ssyncset.done $0x0  }
0xbd: {  	[sflag:s0] =	ssyncadd.s32 $0xFFFFE000  }
0xbe: {  	s14 =	sld [smem:s12+$0x201]  }
0xbf: {  	s15 =	sld [smem:s12+$0x1];
	_ =	sdelay $0x2  }
0xc0: {  	p0 =	seq.s32 s14, $0x0;
	s13 =	sand.u32 $0x7F, s15  }
0xc1: {  	s13 =	simm.s32 @!p0 $0x40  }
0xc2: {  	v4 =	vor.u32 s13, v0;
	_ =	sdelay $0x4  }
0xc3: {  	v4 =	vld.idx.msk [tilespmem:v4+s2+$0x0], $0xffff  }
0xc4: {  	v5 =	vor.u32 s13, v1;
	_ =	sdelay $0x3  }
0xc5: {  	[tilespmem:s10+$0xFFFFFF00] =	vst v4  }
0xc6: {  	v4 =	vld.idx.msk [tilespmem:v5+s2+$0x0], $0xffff  }
0xc7: {  	v5 =	vor.u32 s13, v2;
	_ =	sdelay $0x3  }
0xc8: {  	[tilespmem:s10+$0xFFFFFF10] =	vst v4  }
0xc9: {  	v4 =	vld.idx.msk [tilespmem:v5+s2+$0x0], $0xffff  }
0xca: {  	v5 =	vor.u32 s13, v3  }
0xcb: {  	s16 =	sld [smem:s12+$0x207]  }
0xcc: {  	s21 =	sld [smem:s12+$0x7];
	_ =	sdelay $0x1  }
0xcd: {  	[tilespmem:s10+$0xFFFFFF20] =	vst v4  }
0xce: {  	p0 =	seq.s32 s16, $0x0;
	s13 =	sshra.s32 s21, $0x7;
	v4 =	vld.idx.msk [tilespmem:v5+s2+$0x0], $0xffff  }
0xcf: {  	s13 =	simm.s32 @!p0 $0x1E84  }
0xd0: {  	p0 =	sgt.s32 s13, $0x1E83  }
0xd1: {  	p1 =	sne.s32 @p0 s13, $0x1E84  }
0xd2: {  	s13 =	sshll.u32 @!p0 s13, $0x7;
	s21 =	simm.s32 @!p0 $0x2800;
	p1 =	por p1, !p0  }
0xd3: {  	s13 =	sand.u32 @!p0 $0x1FFFFF80, s13;
	s14 =	simm.s32 @!p1 $0x0;
	s15 =	simm.s32 @!p1 $0x2800;
	[tilespmem:s10+$0xFFFFFF30] =	vst v4  }
0xd4: {  	[tilespmem:s15], [sflag:$0x2] =	stream.linear.gather @!p1 [hbm4b:s4+s14], $0x2000, $0x38;
	[tilespmem:$0x1C800] =	vst v63  }
0xd5: {  	s13 =	sadd.s32 @!p0 s1, s13;
	s14 =	simm.s32 @!p0 $0x400;
	s15 =	simm.s32 @!p0 $0x7A1400  }
0xd6: {  	[tilespmem:s21], [sflag:$0x2] =	stream.strided.gather @!p0 [hbm4b:s13+s14], $0x2000, s15, s14, $0x38;
	[tilespmem:$0x1C800] =	vst v63  }
0xd7: {  	_ =	swait.ge [sflag:s24], $0x2000  }
0xd8: {  	[sflag:s24] =	ssyncset.done $0x0  }
0xd9: {  	[sflag:s24] =	ssyncadd.s32 $0xFFFFE000  }
0xda: {  	s14 =	sld [smem:s12+$0x202]  }
0xdb: {  	s15 =	sld [smem:s12+$0x2];
	_ =	sdelay $0x2  }
0xdc: {  	p0 =	seq.s32 s14, $0x0;
	s14 =	sand.u32 $0x7F, s15  }
0xdd: {  	s14 =	simm.s32 @!p0 $0x40  }
0xde: {  	v4 =	vor.u32 s14, v0;
	_ =	sdelay $0x4  }
0xdf: {  	v4 =	vld.idx.msk [tilespmem:v4+s25+$0x0], $0xffff  }
0xe0: {  	v5 =	vor.u32 s14, v1;
	_ =	sdelay $0x3  }
0xe1: {  	[tilespmem:s10+$0xFFFFFF80] =	vst v4  }
0xe2: {  	v4 =	vld.idx.msk [tilespmem:v5+s25+$0x0], $0xffff  }
0xe3: {  	v5 =	vor.u32 s14, v2;
	_ =	sdelay $0x2  }
0xe4: {  	p0 =	seq.s32 s11, $0x7E0  }
0xe5: {  	s13 =	sshra.s32 @!p0 s11, $0x2;
	[tilespmem:s10+$0xFFFFFF90] =	vst v4  }
0xe6: {  	s15 =	sld @!p0 [smem:s13+$0x208];
	v4 =	vld.idx.msk [tilespmem:v5+s25+$0x0], $0xffff  }
0xe7: {  	v5 =	vor.u32 s14, v3;
	s14 =	sld @!p0 [smem:s13+$0x8];
	_ =	sdelay $0x1  }
0xe8: {  	p1 =	seq.s32 @!p0 s15, $0x0  }
0xe9: {  	p1 =	por !p1, p0;
	s14 =	sshra.s32 @!p0 s14, $0x7  }
0xea: {  	s14 =	simm.s32 @p1 $0x1E84;
	[tilespmem:s10+$0xFFFFFFA0] =	vst v4  }
0xeb: {  	p1 =	sgt.s32 @!p0 s14, $0x1E83;
	v4 =	vld.idx.msk [tilespmem:v5+s25+$0x0], $0xffff  }
0xec: {  	p2 =	por !p1, p0  }
0xed: {  	p2 =	sne.s32 @!p2 s14, $0x1E84  }
0xee: {  	p2 =	por @!p0 p2, !p1;
	p1 =	por p1, p0  }
0xef: {  	p2 =	por p2, p0;
	s14 =	sshll.u32 @!p1 s14, $0x7;
	s16 =	simm.s32 @!p1 $0x4800  }
0xf0: {  	s15 =	simm.s32 @!p2 $0x0;
	s21 =	simm.s32 @!p2 $0x4800;
	s14 =	sand.u32 @!p1 $0x1FFFFF80, s14;
	[tilespmem:s10+$0xFFFFFFB0] =	vst v4  }
0xf1: {  	[tilespmem:s21], [sflag:$0x3] =	stream.linear.gather @!p2 [hbm4b:s4+s15], $0x2000, $0x38;
	[tilespmem:$0x1C800] =	vst v63  }
0xf2: {  	s14 =	sadd.s32 @!p1 s1, s14;
	s15 =	simm.s32 @!p1 $0x400;
	s21 =	simm.s32 @!p1 $0x7A1400  }
0xf3: {  	[tilespmem:s16], [sflag:$0x3] =	stream.strided.gather @!p1 [hbm4b:s14+s15], $0x2000, s21, s15, $0x38;
	[tilespmem:$0x1C800] =	vst v63  }
0xf4: {  	_ =	swait.ge [sflag:s26], $0x2000  }
0xf5: {  	[sflag:s26] =	ssyncset.done $0x0  }
0xf6: {  	[sflag:s26] =	ssyncadd.s32 $0xFFFFE000  }
0xf7: {  	s16 =	sld [smem:s12+$0x203]  }
0xf8: {  	s21 =	sld [smem:s12+$0x3];
	_ =	sdelay $0x2  }
0xf9: {  	p1 =	seq.s32 s16, $0x0;
	s14 =	sand.u32 $0x7F, s21  }
0xfa: {  	s14 =	simm.s32 @!p1 $0x40  }
0xfb: {  	v4 =	vor.u32 s14, v0;
	_ =	sdelay $0x4  }
0xfc: {  	v4 =	vld.idx.msk [tilespmem:v4+s28+$0x0], $0xffff  }
0xfd: {  	v5 =	vor.u32 s14, v1;
	_ =	sdelay $0x3  }
0xfe: {  	[tilespmem:s10+$0x0] =	vst v4  }
0xff: {  	v4 =	vld.idx.msk [tilespmem:v5+s28+$0x0], $0xffff  }
0x100: {  	v5 =	vor.u32 s14, v2;
	_ =	sdelay $0x3  }
0x101: {  	[tilespmem:s10+$0x10] =	vst v4  }
0x102: {  	s15 =	sld @!p0 [smem:s13+$0x209];
	v4 =	vld.idx.msk [tilespmem:v5+s28+$0x0], $0xffff  }
0x103: {  	v5 =	vor.u32 s14, v3;
	s14 =	sld @!p0 [smem:s13+$0x9];
	_ =	sdelay $0x1  }
0x104: {  	p1 =	seq.s32 @!p0 s15, $0x0  }
0x105: {  	p1 =	por !p1, p0;
	s14 =	sshra.s32 @!p0 s14, $0x7  }
0x106: {  	s14 =	simm.s32 @p1 $0x1E84;
	[tilespmem:s10+$0x20] =	vst v4  }
0x107: {  	p1 =	sgt.s32 @!p0 s14, $0x1E83;
	v4 =	vld.idx.msk [tilespmem:v5+s28+$0x0], $0xffff  }
0x108: {  	p2 =	por !p1, p0  }
0x109: {  	p2 =	sne.s32 @!p2 s14, $0x1E84  }
0x10a: {  	p2 =	por @!p0 p2, !p1;
	p1 =	por p1, p0  }
0x10b: {  	p2 =	por p2, p0;
	s14 =	sshll.u32 @!p1 s14, $0x7;
	s21 =	simm.s32 @!p1 $0x6800  }
0x10c: {  	s15 =	simm.s32 @!p2 $0x0;
	s16 =	simm.s32 @!p2 $0x6800;
	s14 =	sand.u32 @!p1 $0x1FFFFF80, s14;
	[tilespmem:s10+$0x30] =	vst v4  }
0x10d: {  	[tilespmem:s16], [sflag:$0x4] =	stream.linear.gather @!p2 [hbm4b:s4+s15], $0x2000, $0x38;
	[tilespmem:$0x1C800] =	vst v63  }
0x10e: {  	s14 =	sadd.s32 @!p1 s1, s14;
	s15 =	simm.s32 @!p1 $0x400;
	s16 =	simm.s32 @!p1 $0x7A1400  }
0x10f: {  	[tilespmem:s21], [sflag:$0x4] =	stream.strided.gather @!p1 [hbm4b:s14+s15], $0x2000, s16, s15, $0x38;
	[tilespmem:$0x1C800] =	vst v63  }
0x110: {  	_ =	swait.ge [sflag:s29], $0x2000  }
0x111: {  	[sflag:s29] =	ssyncset.done $0x0  }
0x112: {  	[sflag:s29] =	ssyncadd.s32 $0xFFFFE000  }
0x113: {  	s16 =	sld [smem:s12+$0x204]  }
0x114: {  	s21 =	sld [smem:s12+$0x4];
	_ =	sdelay $0x2  }
0x115: {  	p1 =	seq.s32 s16, $0x0;
	s14 =	sand.u32 $0x7F, s21  }
0x116: {  	s14 =	simm.s32 @!p1 $0x40  }
0x117: {  	v4 =	vor.u32 s14, v0;
	_ =	sdelay $0x4  }
0x118: {  	v4 =	vld.idx.msk [tilespmem:v4+s30+$0x0], $0xffff  }
0x119: {  	v5 =	vor.u32 s14, v1;
	_ =	sdelay $0x3  }
0x11a: {  	[tilespmem:s10+$0x80] =	vst v4  }
0x11b: {  	v4 =	vld.idx.msk [tilespmem:v5+s30+$0x0], $0xffff  }
0x11c: {  	v5 =	vor.u32 s14, v2;
	_ =	sdelay $0x3  }
0x11d: {  	[tilespmem:s10+$0x90] =	vst v4  }
0x11e: {  	s15 =	sld @!p0 [smem:s13+$0x20A];
	v4 =	vld.idx.msk [tilespmem:v5+s30+$0x0], $0xffff  }
0x11f: {  	s13 =	sld @!p0 [smem:s13+$0xA];
	v5 =	vor.u32 s14, v3;
	_ =	sdelay $0x1  }
0x120: {  	p1 =	seq.s32 @!p0 s15, $0x0  }
0x121: {  	s13 =	sshra.s32 @!p0 s13, $0x7;
	p1 =	por !p1, p0  }
0x122: {  	s13 =	simm.s32 @p1 $0x1E84;
	[tilespmem:s10+$0xA0] =	vst v4  }
0x123: {  	p1 =	sgt.s32 @!p0 s13, $0x1E83;
	v4 =	vld.idx.msk [tilespmem:v5+s30+$0x0], $0xffff  }
0x124: {  	p2 =	por !p1, p0  }
0x125: {  	p2 =	sne.s32 @!p2 s13, $0x1E84  }
0x126: {  	p2 =	por @!p0 p2, !p1;
	p1 =	por p1, p0  }
0x127: {  	p2 =	por p2, p0;
	s13 =	sshll.u32 @!p1 s13, $0x7;
	s16 =	simm.s32 @!p1 $0x8800  }
0x128: {  	s15 =	simm.s32 @!p2 $0x8800;
	s13 =	sand.u32 @!p1 $0x1FFFFF80, s13;
	s14 =	simm.s32 @!p2 $0x0;
	[tilespmem:s10+$0xB0] =	vst v4  }
0x129: {  	[tilespmem:s15], [sflag:$0x5] =	stream.linear.gather @!p2 [hbm4b:s4+s14], $0x2000, $0x38;
	[tilespmem:$0x1C800] =	vst v63  }
0x12a: {  	s13 =	sadd.s32 @!p1 s1, s13;
	s14 =	simm.s32 @!p1 $0x400;
	s15 =	simm.s32 @!p1 $0x7A1400  }
0x12b: {  	[tilespmem:s16], [sflag:$0x5] =	stream.strided.gather @!p1 [hbm4b:s13+s14], $0x2000, s15, s14, $0x38;
	[tilespmem:$0x1C800] =	vst v63  }
0x12c: {  	_ =	swait.ge [sflag:s3], $0x2000  }
0x12d: {  	[sflag:s3] =	ssyncset.done $0x0  }
0x12e: {  	[sflag:s3] =	ssyncadd.s32 $0xFFFFE000  }
0x12f: {  	s16 =	sld [smem:s12+$0x205]  }
0x130: {  	s21 =	sld [smem:s12+$0x5];
	_ =	sdelay $0x2  }
0x131: {  	p1 =	seq.s32 s16, $0x0;
	s13 =	sand.u32 $0x7F, s21  }
0x132: {  	s13 =	simm.s32 @!p1 $0x40  }
0x133: {  	v4 =	vor.u32 s13, v0;
	_ =	sdelay $0x4  }
0x134: {  	v4 =	vld.idx.msk [tilespmem:v4+s6+$0x0], $0xffff  }
0x135: {  	v5 =	vor.u32 s13, v1;
	_ =	sdelay $0x3  }
0x136: {  	[tilespmem:s10+$0x100] =	vst v4  }
0x137: {  	v4 =	vld.idx.msk [tilespmem:v5+s6+$0x0], $0xffff  }
0x138: {  	v5 =	vor.u32 s13, v2;
	_ =	sdelay $0x3  }
0x139: {  	[tilespmem:s10+$0x110] =	vst v4  }
0x13a: {  	v4 =	vld.idx.msk [tilespmem:v5+s6+$0x0], $0xffff  }
0x13b: {  	v5 =	vor.u32 s13, v3;
	_ =	sdelay $0x3  }
0x13c: {  	[tilespmem:s10+$0x120] =	vst v4  }
0x13d: {  	v4 =	vld.idx.msk [tilespmem:v5+s6+$0x0], $0xffff  }
.Ltmp2:
0x13e: {  	_ = 	snop;
	(pc) =	sbr.rel @p0 .LBB2_4-.Ltmp2, $2  }
0x13f: {  	_ =	sdelay $0x2  }
0x140: {  	[tilespmem:s10+$0x130] =	vst v4  }
0x141: {  	s13 =	sld [smem:s12+$0x20B]  }
0x142: {  	s21 =	sld [smem:s12+$0xB];
	_ =	sdelay $0x2  }
0x143: {  	p0 =	seq.s32 s13, $0x0;
	s12 =	sshra.s32 s21, $0x7  }
0x144: {  	s12 =	simm.s32 @!p0 $0x1E84  }
0x145: {  	s11 =	sadd.s32 $0x18, s11;
	p0 =	sgt.s32 s12, $0x1E83  }
0x146: {  	s10 =	sadd.s32 $0x300, s10;
	p1 =	sne.s32 @p0 s12, $0x1E84;
	s12 =	sshll.u32 @!p0 s12, $0x7  }
.Ltmp3:
0x147: {  	s15 =	simm.s32 @!p0 $0xA800;
	p1 =	por p1, !p0;
	(pc) =	sbr.rel .LBB2_2-.Ltmp3, $4  }
0x148: {  	s12 =	sand.u32 @!p0 $0x1FFFFF80, s12;
	s13 =	simm.s32 @!p1 $0x0;
	s14 =	simm.s32 @!p1 $0xA800  }
0x149: {  	[tilespmem:s14], [sflag:$0x6] =	stream.linear.gather @!p1 [hbm4b:s4+s13], $0x2000, $0x38;
	[tilespmem:$0x1C800] =	vst v63  }
0x14a: {  	s12 =	sadd.s32 @!p0 s1, s12;
	s13 =	simm.s32 @!p0 $0x400;
	s14 =	simm.s32 @!p0 $0x7A1400  }
0x14b: {  	[tilespmem:s15], [sflag:$0x6] =	stream.strided.gather @!p0 [hbm4b:s12+s13], $0x2000, s14, s13, $0x38;
	[tilespmem:$0x1C800] =	vst v63  }
.LBB2_5:
0x14c: {  	_ =	sfence.sel $0x180000  }
0x14d: {  	[bflag:$0x0] =	sbarrier.arrive $0xFFFF  }
0x14e: {  	_ =	strace $0x90000047  }
0x14f: {  	s0 =	stileid.u32;
	[bflag:$0x2] =	sbarrier.arrive $0xFFFF  }
0x150: {  	p0 =	sne.s32 s0, $0x0;
	s0 =	rddreg [dreg:$0x6]  }
0x151: {  	s0 =	sadd.s32 @!p0 $0x100000, s0  }
0x152: {  	[sflag:s0] =	ssyncadd.tile.s32 @!p0 $0x1;
	_ =	shalt  }
.Lfunc_end2:
_tile_overlayer_lowered:
.L_overlay_start_2:
0x153: {  	(tag) =	ssettag $0x2  }
0x154: {  	s0 =	rddreg [dreg:$0x0];
	s2 =	stileid.u32  }
0x155: {  	s1 =	rddreg [dreg:$0x1];
	p0 =	sne.s32 s2, $0x0  }
0x156: {  	s3 =	rddreg [dreg:$0x2];
	[bflag:$0x3] =	sbarrier.arrive $0xFFFF;
	s2 =	simm.s32 @!p0 $0x1C07  }
0x157: {  	[timem:s3], [sflag:s2] =	dma.local @!p0 [hbm:s0], s1  }
0x158: {  	s0 =	simm.s32 @!p0 $0x7  }
0x159: {  	_ =	swait.ge @!p0 [sflag:s0], s1  }
0x15a: {  	s1 =	ssub.s32 @!p0 $0x0, s1;
	[sflag:s0] =	ssyncset.done @!p0 $0x0  }
0x15b: {  	[sflag:s0] =	ssyncadd.s32 @!p0 s1  }
0x15c: {  	[bflag:$0x3] =	sbarrier.arrive $0xFFFF  }
0x15d: {  	_ =	shalt  }

</sc_bundles>
